<compile_context>
chip_gen: v7x
topology: tpu7x:2x2x1
jax: 0.10.2.dev20260603
libtpu: 0.0.44.dev20260713+nightly
codegen_flags: <defaults>
</compile_context>

<pallas_src>
import functools

import jax
import jax.numpy as jnp
from jax import lax
from jax.experimental import pallas as pl
from jax.experimental.pallas import tpu as pltpu
from jax.experimental.pallas import tpu_sc as plsc

N_NODES = 10000
N_EDGES = 320000
D_IN = 128
D_EDGE = 16
D_OUT = 128

NC = 2
NS = 16
NW = NC * NS
CH = 128
R = 10112
RT = R // NS
ITERS = 79
EPW = ITERS * CH
EP = NW * EPW

_MESH = dict(core_axis_name="c", subcore_axis_name="s")


def _sc_gather_nodes(nfeats, src3, dst3):

  @functools.partial(
      pl.kernel,
      mesh=plsc.VectorSubcoreMesh(**_MESH),
      out_type=jax.ShapeDtypeStruct((NC, R, D_IN), jnp.float32),
      scratch_types=[
          pltpu.VMEM((CH, D_IN), jnp.float32),
          pltpu.VMEM((ITERS, CH), jnp.int32),
          pltpu.VMEM((ITERS, CH), jnp.int32),
          pltpu.VMEM_SHARED((R, D_IN), jnp.float32),
          pltpu.SemaphoreType.DMA,
      ],
  )
  def k(nf_hbm, src_hbm, dst_hbm, g_out, buf, sidx_v, didx_v, g_sh, sem):
    c = lax.axis_index("c")
    s = lax.axis_index("s")
    wid = c * NS + s
    tb = s * RT

    zeros16 = jnp.zeros((16,), jnp.float32)

    def zrow(i, _):
      for l in range(D_IN // 16):
        buf[i, pl.ds(l * 16, 16)] = zeros16
      return 0
    lax.fori_loop(0, CH, zrow, 0)

    def zcp(kk, _):
      pltpu.sync_copy(buf, g_sh.at[pl.ds(tb + kk * CH, CH)])
      return 0
    nfull = RT // CH
    rem = RT - nfull * CH
    lax.fori_loop(0, nfull, zcp, 0)
    pltpu.sync_copy(buf.at[pl.ds(0, rem)],
                    g_sh.at[pl.ds(tb + nfull * CH, rem)])

    pltpu.sync_copy(src_hbm.at[wid], sidx_v)
    pltpu.sync_copy(dst_hbm.at[wid], didx_v)
    plsc.subcore_barrier()

    def chunk(j, _):
      pltpu.async_copy(nf_hbm.at[sidx_v.at[j]], buf, sem).wait()
      pltpu.sync_copy(buf, g_sh.at[didx_v.at[j]], add=True)
      return 0
    lax.fori_loop(0, ITERS, chunk, 0)

    plsc.subcore_barrier()
    pltpu.sync_copy(g_sh.at[pl.ds(tb, RT)], g_out.at[c, pl.ds(tb, RT)])

  return k(nfeats, src3, dst3)


def _sc_gather_edges(ef, dst3):

  @functools.partial(
      pl.kernel,
      mesh=plsc.VectorSubcoreMesh(**_MESH),
      out_type=jax.ShapeDtypeStruct((NC, R, D_IN), jnp.float32),
      scratch_types=[
          pltpu.VMEM((CH, D_EDGE), jnp.float32),
          pltpu.VMEM((CH, D_IN), jnp.float32),
          pltpu.VMEM((ITERS, CH), jnp.int32),
          pltpu.VMEM_SHARED((R, D_IN), jnp.float32),
          pltpu.SemaphoreType.DMA,
      ],
  )
  def k(ef_hbm, dst_hbm, ec_out, ebuf, wide, didx_v, ec_sh, sem):
    c = lax.axis_index("c")
    s = lax.axis_index("s")
    wid = c * NS + s
    tb = s * RT

    zeros16 = jnp.zeros((16,), jnp.float32)
    def zrow(i, _):
      for l in range(D_IN // 16):
        wide[i, pl.ds(l * 16, 16)] = zeros16
      return 0
    lax.fori_loop(0, CH, zrow, 0)

    def zcp(kk, _):
      pltpu.sync_copy(wide, ec_sh.at[pl.ds(tb + kk * CH, CH)])
      return 0
    nfull = RT // CH
    rem = RT - nfull * CH
    lax.fori_loop(0, nfull, zcp, 0)
    pltpu.sync_copy(wide.at[pl.ds(0, rem)],
                    ec_sh.at[pl.ds(tb + nfull * CH, rem)])

    pltpu.sync_copy(dst_hbm.at[wid], didx_v)
    plsc.subcore_barrier()

    one0 = jnp.where(lax.iota(jnp.int32, 16) < 1, 1.0, 0.0)
    ebase = wid * EPW

    def chunk(j, _):
      pltpu.async_copy(
          ef_hbm.at[pl.ds(ebase + j * CH, CH)], ebuf, sem).wait()
      def wrow(i4, _):
        for u in range(4):
          i = i4 * 4 + u
          wide[i, pl.ds(0, 16)] = ebuf[i, pl.ds(0, 16)]
          wide[i, pl.ds(16, 16)] = one0
        return 0
      lax.fori_loop(0, CH // 4, wrow, 0)
      pltpu.sync_copy(wide, ec_sh.at[didx_v.at[j]], add=True)
      return 0
    lax.fori_loop(0, ITERS, chunk, 0)

    plsc.subcore_barrier()
    pltpu.sync_copy(ec_sh.at[pl.ds(tb, RT)], ec_out.at[c, pl.ds(tb, RT)])

  return k(ef, dst3)


def _tc_finish(g2, ec2, nfeats, wmsg_t, wapply_t, b_msg, b_apply):
  B = 2000
  grid = (N_NODES // B,)

  def body(g_ref, ec_ref, nf_ref, wm_ref, wa_ref, bm_ref, ba_ref, out_ref):
    g = g_ref[0] + g_ref[1]
    ec = ec_ref[0] + ec_ref[1]
    e = ec[:, :D_EDGE]
    cnt = ec[:, D_EDGE:D_EDGE + 1]
    summ = (
        jnp.dot(g, wm_ref[:D_IN], preferred_element_type=jnp.float32)
        + jnp.dot(e, wm_ref[D_IN:D_IN + D_EDGE], preferred_element_type=jnp.float32)
        + cnt * bm_ref[...]
    )
    h_neigh = summ / jnp.maximum(cnt, 1.0)
    ap = (
        jnp.dot(nf_ref[...], wa_ref[:D_IN], preferred_element_type=jnp.float32)
        + jnp.dot(h_neigh, wa_ref[D_IN:], preferred_element_type=jnp.float32)
        + ba_ref[...]
    )
    out_ref[...] = jnp.maximum(ap, 0.0)

  return pl.pallas_call(
      body,
      grid=grid,
      in_specs=[
          pl.BlockSpec((NC, B, D_IN), lambda i: (0, i, 0)),
          pl.BlockSpec((NC, B, D_IN), lambda i: (0, i, 0)),
          pl.BlockSpec((B, D_IN), lambda i: (i, 0)),
          pl.BlockSpec((D_IN + D_EDGE, D_OUT), lambda i: (0, 0)),
          pl.BlockSpec((D_IN + D_OUT, D_OUT), lambda i: (0, 0)),
          pl.BlockSpec((1, D_OUT), lambda i: (0, 0)),
          pl.BlockSpec((1, D_OUT), lambda i: (0, 0)),
      ],
      out_specs=pl.BlockSpec((B, D_OUT), lambda i: (i, 0)),
      out_shape=jax.ShapeDtypeStruct((N_NODES, D_OUT), jnp.float32),
  )(g2, ec2, nfeats, wmsg_t, wapply_t, b_msg, b_apply)


@jax.jit
def kernel(nfeats, efeats, edge_index, W_msg, b_msg, W_apply, b_apply):
  npad = EP - N_EDGES
  pad_ids = jnp.arange(npad, dtype=jnp.int32)
  src = jnp.concatenate(
      [edge_index[0].astype(jnp.int32), pad_ids % N_NODES])
  dst = jnp.concatenate(
      [edge_index[1].astype(jnp.int32),
       N_NODES + pad_ids % (R - N_NODES)])
  src = src.reshape(NW, ITERS, CH)
  dst = dst.reshape(NW, ITERS, CH)
  nfeats = nfeats.astype(jnp.float32)
  efp = jnp.concatenate(
      [efeats.astype(jnp.float32), jnp.zeros((npad, D_EDGE), jnp.float32)])

  g2 = _sc_gather_nodes(nfeats, src, dst)
  ec2 = _sc_gather_edges(efp, dst)

  return _tc_finish(
      g2, ec2, nfeats,
      W_msg.T.astype(jnp.float32), W_apply.T.astype(jnp.float32),
      b_msg.reshape(1, D_OUT), b_apply.reshape(1, D_OUT))

# --- scband reference (transcript-rebuilt; emitter-appended) ---
"""Pipeline reference for scband-sagelayer-52304111730952 (READ-ONLY COPY).

The authoritative reference and input builder live on the scoring server;
editing this copy changes nothing except your own understanding.
"""

import jax, jax.numpy as jnp
import numpy as np

N_NODES = 10000
N_EDGES = 320000
D_IN = 128
D_EDGE = 16
D_OUT = 128


def setup_inputs(seed: int = 0) -> dict:
    key = jax.random.key(seed)
    k1, k2, k3, k4, k5, k6, k7 = jax.random.split(key, 7)
    nfeats = jax.random.normal(k1, (N_NODES, D_IN), dtype=jnp.float32)
    efeats = jax.random.normal(k2, (N_EDGES, D_EDGE), dtype=jnp.float32)
    edge_index = jax.random.randint(k3, (2, N_EDGES), 0, N_NODES, dtype=jnp.int64)
    # Linear params (PyTorch convention: W [out, in], y = x @ W.T + b)
    W_msg = jax.random.normal(k4, (D_OUT, D_IN + D_EDGE), dtype=jnp.float32) * (1.0 / np.sqrt(D_IN + D_EDGE))
    b_msg = jax.random.normal(k5, (D_OUT,), dtype=jnp.float32) * 0.01
    W_apply = jax.random.normal(k6, (D_OUT, D_IN + D_OUT), dtype=jnp.float32) * (1.0 / np.sqrt(D_IN + D_OUT))
    b_apply = jax.random.normal(k7, (D_OUT,), dtype=jnp.float32) * 0.01
    return {"nfeats": nfeats, "efeats": efeats, "edge_index": edge_index,
            "W_msg": W_msg, "b_msg": b_msg, "W_apply": W_apply, "b_apply": b_apply}


def reference(nfeats, efeats, edge_index, W_msg, b_msg, W_apply, b_apply):
    src = edge_index[0]
    dst = edge_index[1]
    # message_func: m = W_msg(cat([h_src, h_edge]))
    msg_input = jnp.concatenate([jnp.take(nfeats, src, axis=0), efeats], axis=-1)
    m = msg_input @ W_msg.T + b_msg
    # fn.mean('m', 'h_neigh'): mean over incoming edges per dst node; zero for isolated nodes
    sum_m = jax.ops.segment_sum(m, dst, num_segments=N_NODES)
    cnt = jax.ops.segment_sum(jnp.ones((m.shape[0],), dtype=m.dtype), dst, num_segments=N_NODES)
    h_neigh = sum_m / jnp.maximum(cnt, 1.0)[:, None]
    # apply: relu(W_apply(cat([h_self, h_neigh])))
    apply_input = jnp.concatenate([nfeats, h_neigh], axis=-1)
    h_out = jax.nn.relu(apply_input @ W_apply.T + b_apply)
    return h_out

if __name__ == "__main__":
    import jax
    _d = setup_inputs()
    print(jax.jit(kernel)(*tuple(_d.values())))

</pallas_src>

<mosaic_0001>
#map = affine_map<(d0, d1) -> (0, 0)>
#map1 = affine_map<(d0, d1) -> (0, 0, 0)>
module attributes {stable_mosaic.version = 14 : i64} {
  func.func @k(%arg0: i32, %arg1: i32, %arg2: memref<323584x16xf32, #tpu.memory_space<hbm>>, %arg3: memref<32x79x128xi32, #tpu.memory_space<hbm>>, %arg4: memref<2x10112x128xf32, #tpu.memory_space<hbm>>, %arg5: memref<128x16xf32, #tpu.memory_space<vmem>>, %arg6: memref<128x128xf32, #tpu.memory_space<vmem>>, %arg7: memref<79x128xi32, #tpu.memory_space<vmem>>, %arg8: memref<10112x128xf32, #tpu.memory_space<vmem_shared>>, %arg9: memref<!tpu.dma_semaphore, #tpu.memory_space<semaphore_mem>>) attributes {dimension_semantics = [#tpu.dimension_semantics<core_parallel>, #tpu.dimension_semantics<subcore_parallel>], iteration_bounds = array<i64: 2, 16>, scalar_prefetch = 0 : i64, scratch_operands = 5 : i64, tpu.core_type = #tpu.core_type<sc_vector_subcore>, window_params = [{transform_indices = #map}, {transform_indices = #map1}, {transform_indices = #map1}]} {
    %mul3A = arith.constant 16 : i32
    %mul3A_0 = arith.muli %arg0, %mul3A : i32
    %add3A = arith.addi %mul3A_0, %arg1 : i32
    %mul3A_1 = arith.constant 632 : i32
    %mul3A_2 = arith.muli %arg1, %mul3A_1 : i32
    %broadcast_in_dim3A = arith.constant 0.000000e+00 : f32
    %broadcast_in_dim3A_3 = vector.broadcast %broadcast_in_dim3A : f32 to vector<16xf32>
    %scan3A = arith.constant 0 : i32
    %scan3A_4 = arith.constant 0 : i32
    %scan3A_5 = arith.constant 128 : i32
    %scan3A_6 = arith.addi %scan3A_4, %scan3A_5 : i32
    %scan3A_7 = arith.constant 1 : i32
    %scan3A_8 = scf.for %scan3A_34 = %scan3A_4 to %scan3A_6 step %scan3A_7 iter_args(%scan3A_35 = %scan3A) -> (i32)  : i32 {
      %swap3A = arith.index_cast %scan3A_34 : i32 to index
      %swap3A_36 = arith.constant 0 : index
      %swap3A_37 = tpu.vector_load %arg6[%swap3A, %swap3A_36] {strides = array<i32>} : memref<128x128xf32, #tpu.memory_space<vmem>>, vector<1x16xf32>,
      %swap3A_38 = vector.shape_cast %swap3A_37 : vector<1x16xf32> to vector<16xf32>
      %swap3A_39 = vector.shape_cast %broadcast_in_dim3A_3 : vector<16xf32> to vector<1x16xf32>
      tpu.vector_store %arg6[%swap3A, %swap3A_36], %swap3A_39 {strides = array<i32>} : memref<128x128xf32, #tpu.memory_space<vmem>>, vector<1x16xf32>,
      %swap3A_40 = arith.index_cast %scan3A_34 : i32 to index
      %swap3A_41 = arith.constant 16 : index
      %swap3A_42 = tpu.vector_load %arg6[%swap3A_40, %swap3A_41] {strides = array<i32>} : memref<128x128xf32, #tpu.memory_space<vmem>>, vector<1x16xf32>,
      %swap3A_43 = vector.shape_cast %swap3A_42 : vector<1x16xf32> to vector<16xf32>
      %swap3A_44 = vector.shape_cast %broadcast_in_dim3A_3 : vector<16xf32> to vector<1x16xf32>
      tpu.vector_store %arg6[%swap3A_40, %swap3A_41], %swap3A_44 {strides = array<i32>} : memref<128x128xf32, #tpu.memory_space<vmem>>, vector<1x16xf32>,
      %swap3A_45 = arith.index_cast %scan3A_34 : i32 to index
      %swap3A_46 = arith.constant 32 : index
      %swap3A_47 = tpu.vector_load %arg6[%swap3A_45, %swap3A_46] {strides = array<i32>} : memref<128x128xf32, #tpu.memory_space<vmem>>, vector<1x16xf32>,
      %swap3A_48 = vector.shape_cast %swap3A_47 : vector<1x16xf32> to vector<16xf32>
      %swap3A_49 = vector.shape_cast %broadcast_in_dim3A_3 : vector<16xf32> to vector<1x16xf32>
      tpu.vector_store %arg6[%swap3A_45, %swap3A_46], %swap3A_49 {strides = array<i32>} : memref<128x128xf32, #tpu.memory_space<vmem>>, vector<1x16xf32>,
      %swap3A_50 = arith.index_cast %scan3A_34 : i32 to index
      %swap3A_51 = arith.constant 48 : index
      %swap3A_52 = tpu.vector_load %arg6[%swap3A_50, %swap3A_51] {strides = array<i32>} : memref<128x128xf32, #tpu.memory_space<vmem>>, vector<1x16xf32>,
      %swap3A_53 = vector.shape_cast %swap3A_52 : vector<1x16xf32> to vector<16xf32>
      %swap3A_54 = vector.shape_cast %broadcast_in_dim3A_3 : vector<16xf32> to vector<1x16xf32>
      tpu.vector_store %arg6[%swap3A_50, %swap3A_51], %swap3A_54 {strides = array<i32>} : memref<128x128xf32, #tpu.memory_space<vmem>>, vector<1x16xf32>,
      %swap3A_55 = arith.index_cast %scan3A_34 : i32 to index
      %swap3A_56 = arith.constant 64 : index
      %swap3A_57 = tpu.vector_load %arg6[%swap3A_55, %swap3A_56] {strides = array<i32>} : memref<128x128xf32, #tpu.memory_space<vmem>>, vector<1x16xf32>,
      %swap3A_58 = vector.shape_cast %swap3A_57 : vector<1x16xf32> to vector<16xf32>
      %swap3A_59 = vector.shape_cast %broadcast_in_dim3A_3 : vector<16xf32> to vector<1x16xf32>
      tpu.vector_store %arg6[%swap3A_55, %swap3A_56], %swap3A_59 {strides = array<i32>} : memref<128x128xf32, #tpu.memory_space<vmem>>, vector<1x16xf32>,
      %swap3A_60 = arith.index_cast %scan3A_34 : i32 to index
      %swap3A_61 = arith.constant 80 : index
      %swap3A_62 = tpu.vector_load %arg6[%swap3A_60, %swap3A_61] {strides = array<i32>} : memref<128x128xf32, #tpu.memory_space<vmem>>, vector<1x16xf32>,
      %swap3A_63 = vector.shape_cast %swap3A_62 : vector<1x16xf32> to vector<16xf32>
      %swap3A_64 = vector.shape_cast %broadcast_in_dim3A_3 : vector<16xf32> to vector<1x16xf32>
      tpu.vector_store %arg6[%swap3A_60, %swap3A_61], %swap3A_64 {strides = array<i32>} : memref<128x128xf32, #tpu.memory_space<vmem>>, vector<1x16xf32>,
      %swap3A_65 = arith.index_cast %scan3A_34 : i32 to index
      %swap3A_66 = arith.constant 96 : index
      %swap3A_67 = tpu.vector_load %arg6[%swap3A_65, %swap3A_66] {strides = array<i32>} : memref<128x128xf32, #tpu.memory_space<vmem>>, vector<1x16xf32>,
      %swap3A_68 = vector.shape_cast %swap3A_67 : vector<1x16xf32> to vector<16xf32>
      %swap3A_69 = vector.shape_cast %broadcast_in_dim3A_3 : vector<16xf32> to vector<1x16xf32>
      tpu.vector_store %arg6[%swap3A_65, %swap3A_66], %swap3A_69 {strides = array<i32>} : memref<128x128xf32, #tpu.memory_space<vmem>>, vector<1x16xf32>,
      %swap3A_70 = arith.index_cast %scan3A_34 : i32 to index
      %swap3A_71 = arith.constant 112 : index
      %swap3A_72 = tpu.vector_load %arg6[%swap3A_70, %swap3A_71] {strides = array<i32>} : memref<128x128xf32, #tpu.memory_space<vmem>>, vector<1x16xf32>,
      %swap3A_73 = vector.shape_cast %swap3A_72 : vector<1x16xf32> to vector<16xf32>
      %swap3A_74 = vector.shape_cast %broadcast_in_dim3A_3 : vector<16xf32> to vector<1x16xf32>
      tpu.vector_store %arg6[%swap3A_70, %swap3A_71], %swap3A_74 {strides = array<i32>} : memref<128x128xf32, #tpu.memory_space<vmem>>, vector<1x16xf32>,
      %scan3A_75 = arith.constant 0 : i32
      scf.yield %scan3A_75 : i32
    }
    %scan3A_9 = arith.constant 128 : i32
    %scan3A_10 = arith.constant 0 : i32
    %scan3A_11 = arith.constant 0 : i32
    %scan3A_12 = arith.constant 4 : i32
    %scan3A_13 = arith.addi %scan3A_11, %scan3A_12 : i32
    %scan3A_14 = arith.constant 1 : i32
    %scan3A_15 = scf.for %scan3A_34 = %scan3A_11 to %scan3A_13 step %scan3A_14 iter_args(%scan3A_35 = %scan3A_10) -> (i32)  : i32 {
      %mul3A_36 = arith.constant 128 : i32
      %mul3A_37 = arith.muli %scan3A_34, %mul3A_36 : i32
      %add3A_38 = arith.addi %mul3A_2, %mul3A_37 : i32
      "tpu.region"() ({
        %run_scoped3A = tpu.sem_alloc : memref<!tpu.dma_semaphore, #tpu.memory_space<semaphore_mem>>
        %dma_start3A = arith.constant 0 : i32
        %dma_start3A_40 = tpu.memref_slice %arg8[%add3A_38, %dma_start3A] : memref<10112x128xf32, #tpu.memory_space<vmem_shared>> -> memref<128x128xf32, #tpu.memory_space<vmem_shared>>
        %dma_start3A_41 = arith.constant 0 : i32
        %dma_start3A_42 = tpu.memref_slice %arg8[%add3A_38, %dma_start3A_41] : memref<10112x128xf32, #tpu.memory_space<vmem_shared>> -> memref<128x128xf32, #tpu.memory_space<vmem_shared>>
        tpu.enqueue_dma source(%arg6 : memref<128x128xf32, #tpu.memory_space<vmem>>) target(%dma_start3A_42 : memref<128x128xf32, #tpu.memory_space<vmem_shared>>) target_semaphore(%run_scoped3A : memref<!tpu.dma_semaphore, #tpu.memory_space<semaphore_mem>>)
        %dma_wait3A = arith.constant 0 : i32
        %dma_wait3A_43 = tpu.memref_slice %arg8[%add3A_38, %dma_wait3A] : memref<10112x128xf32, #tpu.memory_space<vmem_shared>> -> memref<128x128xf32, #tpu.memory_space<vmem_shared>>
        %dma_wait3A_44 = arith.constant 0 : i32
        %dma_wait3A_45 = tpu.memref_slice %arg8[%add3A_38, %dma_wait3A_44] : memref<10112x128xf32, #tpu.memory_space<vmem_shared>> -> memref<128x128xf32, #tpu.memory_space<vmem_shared>>
        tpu.wait_dma2 semaphore(%run_scoped3A : memref<!tpu.dma_semaphore, #tpu.memory_space<semaphore_mem>>) src(%arg6 : memref<128x128xf32, #tpu.memory_space<vmem>>) dst(%dma_wait3A_45 : memref<128x128xf32, #tpu.memory_space<vmem_shared>>)
        tpu.yield
      }) : () -> ()
      %scan3A_39 = arith.constant 0 : i32
      scf.yield %scan3A_39 : i32
    }
    %scan3A_16 = arith.constant 4 : i32
    %add3A_17 = arith.constant 512 : i32
    %add3A_18 = arith.addi %mul3A_2, %add3A_17 : i32
    "tpu.region"() ({
      %run_scoped3A = tpu.sem_alloc : memref<!tpu.dma_semaphore, #tpu.memory_space<semaphore_mem>>
      %dma_start3A = arith.constant 0 : i32
      %dma_start3A_34 = arith.constant 0 : i32
      %dma_start3A_35 = tpu.memref_slice %arg6[%dma_start3A, %dma_start3A_34] : memref<128x128xf32, #tpu.memory_space<vmem>> -> memref<120x128xf32, #tpu.memory_space<vmem>>
      %dma_start3A_36 = arith.constant 0 : i32
      %dma_start3A_37 = tpu.memref_slice %arg8[%add3A_18, %dma_start3A_36] : memref<10112x128xf32, #tpu.memory_space<vmem_shared>> -> memref<120x128xf32, #tpu.memory_space<vmem_shared>>
      %dma_start3A_38 = arith.constant 0 : i32
      %dma_start3A_39 = tpu.memref_slice %arg8[%add3A_18, %dma_start3A_38] : memref<10112x128xf32, #tpu.memory_space<vmem_shared>> -> memref<120x128xf32, #tpu.memory_space<vmem_shared>>
      %dma_start3A_40 = arith.constant 0 : i32
      %dma_start3A_41 = arith.constant 0 : i32
      %dma_start3A_42 = tpu.memref_slice %arg6[%dma_start3A_40, %dma_start3A_41] : memref<128x128xf32, #tpu.memory_space<vmem>> -> memref<120x128xf32, #tpu.memory_space<vmem>>
      tpu.enqueue_dma source(%dma_start3A_42 : memref<120x128xf32, #tpu.memory_space<vmem>>) target(%dma_start3A_39 : memref<120x128xf32, #tpu.memory_space<vmem_shared>>) target_semaphore(%run_scoped3A : memref<!tpu.dma_semaphore, #tpu.memory_space<semaphore_mem>>)
      %dma_wait3A = arith.constant 0 : i32
      %dma_wait3A_43 = arith.constant 0 : i32
      %dma_wait3A_44 = tpu.memref_slice %arg6[%dma_wait3A, %dma_wait3A_43] : memref<128x128xf32, #tpu.memory_space<vmem>> -> memref<120x128xf32, #tpu.memory_space<vmem>>
      %dma_wait3A_45 = arith.constant 0 : i32
      %dma_wait3A_46 = tpu.memref_slice %arg8[%add3A_18, %dma_wait3A_45] : memref<10112x128xf32, #tpu.memory_space<vmem_shared>> -> memref<120x128xf32, #tpu.memory_space<vmem_shared>>
      %dma_wait3A_47 = arith.constant 0 : i32
      %dma_wait3A_48 = tpu.memref_slice %arg8[%add3A_18, %dma_wait3A_47] : memref<10112x128xf32, #tpu.memory_space<vmem_shared>> -> memref<120x128xf32, #tpu.memory_space<vmem_shared>>
      %dma_wait3A_49 = arith.constant 0 : i32
      %dma_wait3A_50 = arith.constant 0 : i32
      %dma_wait3A_51 = tpu.memref_slice %arg6[%dma_wait3A_49, %dma_wait3A_50] : memref<128x128xf32, #tpu.memory_space<vmem>> -> memref<120x128xf32, #tpu.memory_space<vmem>>
      tpu.wait_dma2 semaphore(%run_scoped3A : memref<!tpu.dma_semaphore, #tpu.memory_space<semaphore_mem>>) src(%dma_wait3A_51 : memref<120x128xf32, #tpu.memory_space<vmem>>) dst(%dma_wait3A_48 : memref<120x128xf32, #tpu.memory_space<vmem_shared>>)
      tpu.yield
    }) : () -> ()
    "tpu.region"() ({
      %run_scoped3A = tpu.sem_alloc : memref<!tpu.dma_semaphore, #tpu.memory_space<semaphore_mem>>
      %dma_start3A = arith.constant 0 : i32
      %dma_start3A_34 = arith.constant 0 : i32
      %dma_start3A_35 = tpu.memref_slice %arg3[%add3A, %dma_start3A, %dma_start3A_34] : memref<32x79x128xi32, #tpu.memory_space<hbm>> -> memref<1x79x128xi32, #tpu.memory_space<hbm>>
      %dma_start3A_36 = tpu.memref_squeeze %dma_start3A_35 : memref<1x79x128xi32, #tpu.memory_space<hbm>> -> memref<79x128xi32, #tpu.memory_space<hbm>>
      %dma_start3A_37 = arith.constant 0 : i32
      %dma_start3A_38 = arith.constant 0 : i32
      %dma_start3A_39 = tpu.memref_slice %arg3[%add3A, %dma_start3A_37, %dma_start3A_38] : memref<32x79x128xi32, #tpu.memory_space<hbm>> -> memref<1x79x128xi32, #tpu.memory_space<hbm>>
      %dma_start3A_40 = tpu.memref_squeeze %dma_start3A_39 : memref<1x79x128xi32, #tpu.memory_space<hbm>> -> memref<79x128xi32, #tpu.memory_space<hbm>>
      tpu.enqueue_dma source(%dma_start3A_40 : memref<79x128xi32, #tpu.memory_space<hbm>>) target(%arg7 : memref<79x128xi32, #tpu.memory_space<vmem>>) target_semaphore(%run_scoped3A : memref<!tpu.dma_semaphore, #tpu.memory_space<semaphore_mem>>)
      %dma_wait3A = arith.constant 0 : i32
      %dma_wait3A_41 = arith.constant 0 : i32
      %dma_wait3A_42 = tpu.memref_slice %arg3[%add3A, %dma_wait3A, %dma_wait3A_41] : memref<32x79x128xi32, #tpu.memory_space<hbm>> -> memref<1x79x128xi32, #tpu.memory_space<hbm>>
      %dma_wait3A_43 = tpu.memref_squeeze %dma_wait3A_42 : memref<1x79x128xi32, #tpu.memory_space<hbm>> -> memref<79x128xi32, #tpu.memory_space<hbm>>
      %dma_wait3A_44 = arith.constant 0 : i32
      %dma_wait3A_45 = arith.constant 0 : i32
      %dma_wait3A_46 = tpu.memref_slice %arg3[%add3A, %dma_wait3A_44, %dma_wait3A_45] : memref<32x79x128xi32, #tpu.memory_space<hbm>> -> memref<1x79x128xi32, #tpu.memory_space<hbm>>
      %dma_wait3A_47 = tpu.memref_squeeze %dma_wait3A_46 : memref<1x79x128xi32, #tpu.memory_space<hbm>> -> memref<79x128xi32, #tpu.memory_space<hbm>>
      tpu.wait_dma2 semaphore(%run_scoped3A : memref<!tpu.dma_semaphore, #tpu.memory_space<semaphore_mem>>) src(%dma_wait3A_47 : memref<79x128xi32, #tpu.memory_space<hbm>>) dst(%arg7 : memref<79x128xi32, #tpu.memory_space<vmem>>)
      tpu.yield
    }) : () -> ()
    %barrier3A = arith.constant 0 : index
    tpu.barrier barrier_id(%barrier3A)
    %iota3A = tpu.iota {dimensions = array<i32: 0>} : vector<16xi32>
    %lt3A = arith.constant 1 : i32
    %lt3A_19 = vector.broadcast %lt3A : i32 to vector<16xi32>
    %lt3A_20 = arith.cmpi slt, %iota3A, %lt3A_19 : vector<16xi32>
    %jit3A = arith.constant 1.000000e+00 : f32
    %jit3A_21 = arith.constant 0.000000e+00 : f32
    %broadcast_in_dim3A_22 = vector.broadcast %jit3A : f32 to vector<16xf32>
    %broadcast_in_dim3A_23 = vector.broadcast %jit3A_21 : f32 to vector<16xf32>
    %select_n3A = arith.select %lt3A_20, %broadcast_in_dim3A_22, %broadcast_in_dim3A_23 : vector<16xi1>, vector<16xf32>
    %mul3A_24 = arith.constant 10112 : i32
    %mul3A_25 = arith.muli %add3A, %mul3A_24 : i32
    %scan3A_26 = arith.constant 0 : i32
    %scan3A_27 = arith.constant 0 : i32
    %scan3A_28 = arith.constant 79 : i32
    %scan3A_29 = arith.addi %scan3A_27, %scan3A_28 : i32
    %scan3A_30 = arith.constant 1 : i32
    %scan3A_31 = scf.for %scan3A_34 = %scan3A_27 to %scan3A_29 step %scan3A_30 iter_args(%scan3A_35 = %scan3A_26) -> (i32)  : i32 {
      %mul3A_36 = arith.constant 128 : i32
      %mul3A_37 = arith.muli %scan3A_34, %mul3A_36 : i32
      %add3A_38 = arith.addi %mul3A_25, %mul3A_37 : i32
      %dma_start3A = arith.constant 0 : i32
      %dma_start3A_39 = tpu.memref_slice %arg2[%add3A_38, %dma_start3A] : memref<323584x16xf32, #tpu.memory_space<hbm>> -> memref<128x16xf32, #tpu.memory_space<hbm>>
      %dma_start3A_40 = arith.constant 0 : i32
      %dma_start3A_41 = tpu.memref_slice %arg2[%add3A_38, %dma_start3A_40] : memref<323584x16xf32, #tpu.memory_space<hbm>> -> memref<128x16xf32, #tpu.memory_space<hbm>>
      tpu.enqueue_dma source(%dma_start3A_41 : memref<128x16xf32, #tpu.memory_space<hbm>>) target(%arg5 : memref<128x16xf32, #tpu.memory_space<vmem>>) target_semaphore(%arg9 : memref<!tpu.dma_semaphore, #tpu.memory_space<semaphore_mem>>)
      %dma_wait3A = arith.constant 0 : i32
      %dma_wait3A_42 = tpu.memref_slice %arg2[%add3A_38, %dma_wait3A] : memref<323584x16xf32, #tpu.memory_space<hbm>> -> memref<128x16xf32, #tpu.memory_space<hbm>>
      %dma_wait3A_43 = arith.constant 0 : i32
      %dma_wait3A_44 = tpu.memref_slice %arg2[%add3A_38, %dma_wait3A_43] : memref<323584x16xf32, #tpu.memory_space<hbm>> -> memref<128x16xf32, #tpu.memory_space<hbm>>
      tpu.wait_dma2 semaphore(%arg9 : memref<!tpu.dma_semaphore, #tpu.memory_space<semaphore_mem>>) src(%dma_wait3A_44 : memref<128x16xf32, #tpu.memory_space<hbm>>) dst(%arg5 : memref<128x16xf32, #tpu.memory_space<vmem>>)
      %scan3A_45 = arith.constant 0 : i32
      %scan3A_46 = arith.constant 0 : i32
      %scan3A_47 = arith.constant 32 : i32
      %scan3A_48 = arith.addi %scan3A_46, %scan3A_47 : i32
      %scan3A_49 = arith.constant 1 : i32
      %scan3A_50 = scf.for %scan3A_53 = %scan3A_46 to %scan3A_48 step %scan3A_49 iter_args(%scan3A_54 = %scan3A_45) -> (i32)  : i32 {
        %mul3A_55 = arith.constant 4 : i32
        %mul3A_56 = arith.muli %scan3A_53, %mul3A_55 : i32
        %add3A_57 = arith.constant 0 : i32
        %add3A_58 = arith.addi %mul3A_56, %add3A_57 : i32
        %get3A = arith.index_cast %add3A_58 : i32 to index
        %get3A_59 = arith.constant 0 : index
        %get3A_60 = tpu.vector_load %arg5[%get3A, %get3A_59] {strides = array<i32>} : memref<128x16xf32, #tpu.memory_space<vmem>>, vector<1x16xf32>,
        %get3A_61 = vector.shape_cast %get3A_60 : vector<1x16xf32> to vector<16xf32>
        %swap3A = arith.index_cast %add3A_58 : i32 to index
        %swap3A_62 = arith.constant 0 : index
        %swap3A_63 = tpu.vector_load %arg6[%swap3A, %swap3A_62] {strides = array<i32>} : memref<128x128xf32, #tpu.memory_space<vmem>>, vector<1x16xf32>,
        %swap3A_64 = vector.shape_cast %swap3A_63 : vector<1x16xf32> to vector<16xf32>
        %swap3A_65 = vector.shape_cast %get3A_61 : vector<16xf32> to vector<1x16xf32>
        tpu.vector_store %arg6[%swap3A, %swap3A_62], %swap3A_65 {strides = array<i32>} : memref<128x128xf32, #tpu.memory_space<vmem>>, vector<1x16xf32>,
        %swap3A_66 = arith.index_cast %add3A_58 : i32 to index
        %swap3A_67 = arith.constant 16 : index
        %swap3A_68 = tpu.vector_load %arg6[%swap3A_66, %swap3A_67] {strides = array<i32>} : memref<128x128xf32, #tpu.memory_space<vmem>>, vector<1x16xf32>,
        %swap3A_69 = vector.shape_cast %swap3A_68 : vector<1x16xf32> to vector<16xf32>
        %swap3A_70 = vector.shape_cast %select_n3A : vector<16xf32> to vector<1x16xf32>
        tpu.vector_store %arg6[%swap3A_66, %swap3A_67], %swap3A_70 {strides = array<i32>} : memref<128x128xf32, #tpu.memory_space<vmem>>, vector<1x16xf32>,
        %mul3A_71 = arith.constant 4 : i32
        %mul3A_72 = arith.muli %scan3A_53, %mul3A_71 : i32
        %add3A_73 = arith.constant 1 : i32
        %add3A_74 = arith.addi %mul3A_72, %add3A_73 : i32
        %get3A_75 = arith.index_cast %add3A_74 : i32 to index
        %get3A_76 = arith.constant 0 : index
        %get3A_77 = tpu.vector_load %arg5[%get3A_75, %get3A_76] {strides = array<i32>} : memref<128x16xf32, #tpu.memory_space<vmem>>, vector<1x16xf32>,
        %get3A_78 = vector.shape_cast %get3A_77 : vector<1x16xf32> to vector<16xf32>
        %swap3A_79 = arith.index_cast %add3A_74 : i32 to index
        %swap3A_80 = arith.constant 0 : index
        %swap3A_81 = tpu.vector_load %arg6[%swap3A_79, %swap3A_80] {strides = array<i32>} : memref<128x128xf32, #tpu.memory_space<vmem>>, vector<1x16xf32>,
        %swap3A_82 = vector.shape_cast %swap3A_81 : vector<1x16xf32> to vector<16xf32>
        %swap3A_83 = vector.shape_cast %get3A_78 : vector<16xf32> to vector<1x16xf32>
        tpu.vector_store %arg6[%swap3A_79, %swap3A_80], %swap3A_83 {strides = array<i32>} : memref<128x128xf32, #tpu.memory_space<vmem>>, vector<1x16xf32>,
        %swap3A_84 = arith.index_cast %add3A_74 : i32 to index
        %swap3A_85 = arith.constant 16 : index
        %swap3A_86 = tpu.vector_load %arg6[%swap3A_84, %swap3A_85] {strides = array<i32>} : memref<128x128xf32, #tpu.memory_space<vmem>>, vector<1x16xf32>,
        %swap3A_87 = vector.shape_cast %swap3A_86 : vector<1x16xf32> to vector<16xf32>
        %swap3A_88 = vector.shape_cast %select_n3A : vector<16xf32> to vector<1x16xf32>
        tpu.vector_store %arg6[%swap3A_84, %swap3A_85], %swap3A_88 {strides = array<i32>} : memref<128x128xf32, #tpu.memory_space<vmem>>, vector<1x16xf32>,
        %mul3A_89 = arith.constant 4 : i32
        %mul3A_90 = arith.muli %scan3A_53, %mul3A_89 : i32
        %add3A_91 = arith.constant 2 : i32
        %add3A_92 = arith.addi %mul3A_90, %add3A_91 : i32
        %get3A_93 = arith.index_cast %add3A_92 : i32 to index
        %get3A_94 = arith.constant 0 : index
        %get3A_95 = tpu.vector_load %arg5[%get3A_93, %get3A_94] {strides = array<i32>} : memref<128x16xf32, #tpu.memory_space<vmem>>, vector<1x16xf32>,
        %get3A_96 = vector.shape_cast %get3A_95 : vector<1x16xf32> to vector<16xf32>
        %swap3A_97 = arith.index_cast %add3A_92 : i32 to index
        %swap3A_98 = arith.constant 0 : index
        %swap3A_99 = tpu.vector_load %arg6[%swap3A_97, %swap3A_98] {strides = array<i32>} : memref<128x128xf32, #tpu.memory_space<vmem>>, vector<1x16xf32>,
        %swap3A_100 = vector.shape_cast %swap3A_99 : vector<1x16xf32> to vector<16xf32>
        %swap3A_101 = vector.shape_cast %get3A_96 : vector<16xf32> to vector<1x16xf32>
        tpu.vector_store %arg6[%swap3A_97, %swap3A_98], %swap3A_101 {strides = array<i32>} : memref<128x128xf32, #tpu.memory_space<vmem>>, vector<1x16xf32>,
        %swap3A_102 = arith.index_cast %add3A_92 : i32 to index
        %swap3A_103 = arith.constant 16 : index
        %swap3A_104 = tpu.vector_load %arg6[%swap3A_102, %swap3A_103] {strides = array<i32>} : memref<128x128xf32, #tpu.memory_space<vmem>>, vector<1x16xf32>,
        %swap3A_105 = vector.shape_cast %swap3A_104 : vector<1x16xf32> to vector<16xf32>
        %swap3A_106 = vector.shape_cast %select_n3A : vector<16xf32> to vector<1x16xf32>
        tpu.vector_store %arg6[%swap3A_102, %swap3A_103], %swap3A_106 {strides = array<i32>} : memref<128x128xf32, #tpu.memory_space<vmem>>, vector<1x16xf32>,
        %mul3A_107 = arith.constant 4 : i32
        %mul3A_108 = arith.muli %scan3A_53, %mul3A_107 : i32
        %add3A_109 = arith.constant 3 : i32
        %add3A_110 = arith.addi %mul3A_108, %add3A_109 : i32
        %get3A_111 = arith.index_cast %add3A_110 : i32 to index
        %get3A_112 = arith.constant 0 : index
        %get3A_113 = tpu.vector_load %arg5[%get3A_111, %get3A_112] {strides = array<i32>} : memref<128x16xf32, #tpu.memory_space<vmem>>, vector<1x16xf32>,
        %get3A_114 = vector.shape_cast %get3A_113 : vector<1x16xf32> to vector<16xf32>
        %swap3A_115 = arith.index_cast %add3A_110 : i32 to index
        %swap3A_116 = arith.constant 0 : index
        %swap3A_117 = tpu.vector_load %arg6[%swap3A_115, %swap3A_116] {strides = array<i32>} : memref<128x128xf32, #tpu.memory_space<vmem>>, vector<1x16xf32>,
        %swap3A_118 = vector.shape_cast %swap3A_117 : vector<1x16xf32> to vector<16xf32>
        %swap3A_119 = vector.shape_cast %get3A_114 : vector<16xf32> to vector<1x16xf32>
        tpu.vector_store %arg6[%swap3A_115, %swap3A_116], %swap3A_119 {strides = array<i32>} : memref<128x128xf32, #tpu.memory_space<vmem>>, vector<1x16xf32>,
        %swap3A_120 = arith.index_cast %add3A_110 : i32 to index
        %swap3A_121 = arith.constant 16 : index
        %swap3A_122 = tpu.vector_load %arg6[%swap3A_120, %swap3A_121] {strides = array<i32>} : memref<128x128xf32, #tpu.memory_space<vmem>>, vector<1x16xf32>,
        %swap3A_123 = vector.shape_cast %swap3A_122 : vector<1x16xf32> to vector<16xf32>
        %swap3A_124 = vector.shape_cast %select_n3A : vector<16xf32> to vector<1x16xf32>
        tpu.vector_store %arg6[%swap3A_120, %swap3A_121], %swap3A_124 {strides = array<i32>} : memref<128x128xf32, #tpu.memory_space<vmem>>, vector<1x16xf32>,
        %scan3A_125 = arith.constant 0 : i32
        scf.yield %scan3A_125 : i32
      }
      %scan3A_51 = arith.constant 32 : i32
      "tpu.region"() ({
        %run_scoped3A = tpu.sem_alloc : memref<!tpu.dma_semaphore, #tpu.memory_space<semaphore_mem>>
        %dma_start3A_53 = arith.constant 0 : i32
        %dma_start3A_54 = tpu.memref_slice %arg7[%scan3A_34, %dma_start3A_53] : memref<79x128xi32, #tpu.memory_space<vmem>> -> memref<1x128xi32, #tpu.memory_space<vmem>>
        %dma_start3A_55 = tpu.memref_squeeze %dma_start3A_54 : memref<1x128xi32, #tpu.memory_space<vmem>> -> memref<128xi32, #tpu.memory_space<vmem>>
        %dma_start3A_56 = arith.constant 0 : i32
        %dma_start3A_57 = arith.constant 0 : i32
        %dma_start3A_58 = tpu.memref_slice %arg8[%dma_start3A_56, %dma_start3A_57] : memref<10112x128xf32, #tpu.memory_space<vmem_shared>> -> memref<10112x128xf32, #tpu.memory_space<vmem_shared>>
        tpu.enqueue_indirect_dma source(%arg6 : memref<128x128xf32, #tpu.memory_space<vmem>>) target(%dma_start3A_58 : memref<10112x128xf32, #tpu.memory_space<vmem_shared>>) offsets(%dma_start3A_55 : memref<128xi32, #tpu.memory_space<vmem>>) semaphore(%run_scoped3A : memref<!tpu.dma_semaphore, #tpu.memory_space<semaphore_mem>>) {add = true}
        %dma_wait3A_59 = arith.constant 0 : i32
        %dma_wait3A_60 = tpu.memref_slice %arg7[%scan3A_34, %dma_wait3A_59] : memref<79x128xi32, #tpu.memory_space<vmem>> -> memref<1x128xi32, #tpu.memory_space<vmem>>
        %dma_wait3A_61 = tpu.memref_squeeze %dma_wait3A_60 : memref<1x128xi32, #tpu.memory_space<vmem>> -> memref<128xi32, #tpu.memory_space<vmem>>
        %dma_wait3A_62 = arith.constant 0 : i32
        %dma_wait3A_63 = arith.constant 0 : i32
        %dma_wait3A_64 = tpu.memref_slice %arg8[%dma_wait3A_62, %dma_wait3A_63] : memref<10112x128xf32, #tpu.memory_space<vmem_shared>> -> memref<10112x128xf32, #tpu.memory_space<vmem_shared>>
        tpu.wait_indirect_dma semaphore(%run_scoped3A : memref<!tpu.dma_semaphore, #tpu.memory_space<semaphore_mem>>) src(%arg6 : memref<128x128xf32, #tpu.memory_space<vmem>>) dst(%dma_wait3A_64 : memref<10112x128xf32, #tpu.memory_space<vmem_shared>>)
        tpu.yield
      }) : () -> ()
      %scan3A_52 = arith.constant 0 : i32
      scf.yield %scan3A_52 : i32
    }
    %scan3A_32 = arith.constant 79 : i32
    %barrier3A_33 = arith.constant 0 : index
    tpu.barrier barrier_id(%barrier3A_33)
    "tpu.region"() ({
      %run_scoped3A = tpu.sem_alloc : memref<!tpu.dma_semaphore, #tpu.memory_space<semaphore_mem>>
      %dma_start3A = arith.constant 0 : i32
      %dma_start3A_34 = tpu.memref_slice %arg4[%arg0, %mul3A_2, %dma_start3A] : memref<2x10112x128xf32, #tpu.memory_space<hbm>> -> memref<1x632x128xf32, #tpu.memory_space<hbm>>
      %dma_start3A_35 = tpu.memref_squeeze %dma_start3A_34 : memref<1x632x128xf32, #tpu.memory_space<hbm>> -> memref<632x128xf32, #tpu.memory_space<hbm>>
      %dma_start3A_36 = arith.constant 0 : i32
      %dma_start3A_37 = tpu.memref_slice %arg8[%mul3A_2, %dma_start3A_36] : memref<10112x128xf32, #tpu.memory_space<vmem_shared>> -> memref<632x128xf32, #tpu.memory_space<vmem_shared>>
      tpu.enqueue_dma source(%dma_start3A_37 : memref<632x128xf32, #tpu.memory_space<vmem_shared>>) target(%dma_start3A_35 : memref<632x128xf32, #tpu.memory_space<hbm>>) target_semaphore(%run_scoped3A : memref<!tpu.dma_semaphore, #tpu.memory_space<semaphore_mem>>)
      %dma_wait3A = arith.constant 0 : i32
      %dma_wait3A_38 = tpu.memref_slice %arg4[%arg0, %mul3A_2, %dma_wait3A] : memref<2x10112x128xf32, #tpu.memory_space<hbm>> -> memref<1x632x128xf32, #tpu.memory_space<hbm>>
      %dma_wait3A_39 = tpu.memref_squeeze %dma_wait3A_38 : memref<1x632x128xf32, #tpu.memory_space<hbm>> -> memref<632x128xf32, #tpu.memory_space<hbm>>
      %dma_wait3A_40 = arith.constant 0 : i32
      %dma_wait3A_41 = tpu.memref_slice %arg8[%mul3A_2, %dma_wait3A_40] : memref<10112x128xf32, #tpu.memory_space<vmem_shared>> -> memref<632x128xf32, #tpu.memory_space<vmem_shared>>
      tpu.wait_dma2 semaphore(%run_scoped3A : memref<!tpu.dma_semaphore, #tpu.memory_space<semaphore_mem>>) src(%dma_wait3A_41 : memref<632x128xf32, #tpu.memory_space<vmem_shared>>) dst(%dma_wait3A_39 : memref<632x128xf32, #tpu.memory_space<hbm>>)
      tpu.yield
    }) : () -> ()
    return
  }
}

#map = affine_map<(d0, d1) -> (0, 0)>
#map1 = affine_map<(d0, d1) -> (0, 0, 0)>
module attributes {stable_mosaic.version = 14 : i64} {
  func.func @k(%arg0: i32, %arg1: i32, %arg2: memref<10000x128xf32, #tpu.memory_space<hbm>>, %arg3: memref<32x79x128xi32, #tpu.memory_space<hbm>>, %arg4: memref<32x79x128xi32, #tpu.memory_space<hbm>>, %arg5: memref<2x10112x128xf32, #tpu.memory_space<hbm>>, %arg6: memref<128x128xf32, #tpu.memory_space<vmem>>, %arg7: memref<79x128xi32, #tpu.memory_space<vmem>>, %arg8: memref<79x128xi32, #tpu.memory_space<vmem>>, %arg9: memref<10112x128xf32, #tpu.memory_space<vmem_shared>>, %arg10: memref<!tpu.dma_semaphore, #tpu.memory_space<semaphore_mem>>) attributes {dimension_semantics = [#tpu.dimension_semantics<core_parallel>, #tpu.dimension_semantics<subcore_parallel>], iteration_bounds = array<i64: 2, 16>, scalar_prefetch = 0 : i64, scratch_operands = 5 : i64, tpu.core_type = #tpu.core_type<sc_vector_subcore>, window_params = [{transform_indices = #map}, {transform_indices = #map1}, {transform_indices = #map1}, {transform_indices = #map1}]} {
    %mul3A = arith.constant 16 : i32
    %mul3A_0 = arith.muli %arg0, %mul3A : i32
    %add3A = arith.addi %mul3A_0, %arg1 : i32
    %mul3A_1 = arith.constant 632 : i32
    %mul3A_2 = arith.muli %arg1, %mul3A_1 : i32
    %broadcast_in_dim3A = arith.constant 0.000000e+00 : f32
    %broadcast_in_dim3A_3 = vector.broadcast %broadcast_in_dim3A : f32 to vector<16xf32>
    %scan3A = arith.constant 0 : i32
    %scan3A_4 = arith.constant 0 : i32
    %scan3A_5 = arith.constant 128 : i32
    %scan3A_6 = arith.addi %scan3A_4, %scan3A_5 : i32
    %scan3A_7 = arith.constant 1 : i32
    %scan3A_8 = scf.for %scan3A_27 = %scan3A_4 to %scan3A_6 step %scan3A_7 iter_args(%scan3A_28 = %scan3A) -> (i32)  : i32 {
      %swap3A = arith.index_cast %scan3A_27 : i32 to index
      %swap3A_29 = arith.constant 0 : index
      %swap3A_30 = tpu.vector_load %arg6[%swap3A, %swap3A_29] {strides = array<i32>} : memref<128x128xf32, #tpu.memory_space<vmem>>, vector<1x16xf32>,
      %swap3A_31 = vector.shape_cast %swap3A_30 : vector<1x16xf32> to vector<16xf32>
      %swap3A_32 = vector.shape_cast %broadcast_in_dim3A_3 : vector<16xf32> to vector<1x16xf32>
      tpu.vector_store %arg6[%swap3A, %swap3A_29], %swap3A_32 {strides = array<i32>} : memref<128x128xf32, #tpu.memory_space<vmem>>, vector<1x16xf32>,
      %swap3A_33 = arith.index_cast %scan3A_27 : i32 to index
      %swap3A_34 = arith.constant 16 : index
      %swap3A_35 = tpu.vector_load %arg6[%swap3A_33, %swap3A_34] {strides = array<i32>} : memref<128x128xf32, #tpu.memory_space<vmem>>, vector<1x16xf32>,
      %swap3A_36 = vector.shape_cast %swap3A_35 : vector<1x16xf32> to vector<16xf32>
      %swap3A_37 = vector.shape_cast %broadcast_in_dim3A_3 : vector<16xf32> to vector<1x16xf32>
      tpu.vector_store %arg6[%swap3A_33, %swap3A_34], %swap3A_37 {strides = array<i32>} : memref<128x128xf32, #tpu.memory_space<vmem>>, vector<1x16xf32>,
      %swap3A_38 = arith.index_cast %scan3A_27 : i32 to index
      %swap3A_39 = arith.constant 32 : index
      %swap3A_40 = tpu.vector_load %arg6[%swap3A_38, %swap3A_39] {strides = array<i32>} : memref<128x128xf32, #tpu.memory_space<vmem>>, vector<1x16xf32>,
      %swap3A_41 = vector.shape_cast %swap3A_40 : vector<1x16xf32> to vector<16xf32>
      %swap3A_42 = vector.shape_cast %broadcast_in_dim3A_3 : vector<16xf32> to vector<1x16xf32>
      tpu.vector_store %arg6[%swap3A_38, %swap3A_39], %swap3A_42 {strides = array<i32>} : memref<128x128xf32, #tpu.memory_space<vmem>>, vector<1x16xf32>,
      %swap3A_43 = arith.index_cast %scan3A_27 : i32 to index
      %swap3A_44 = arith.constant 48 : index
      %swap3A_45 = tpu.vector_load %arg6[%swap3A_43, %swap3A_44] {strides = array<i32>} : memref<128x128xf32, #tpu.memory_space<vmem>>, vector<1x16xf32>,
      %swap3A_46 = vector.shape_cast %swap3A_45 : vector<1x16xf32> to vector<16xf32>
      %swap3A_47 = vector.shape_cast %broadcast_in_dim3A_3 : vector<16xf32> to vector<1x16xf32>
      tpu.vector_store %arg6[%swap3A_43, %swap3A_44], %swap3A_47 {strides = array<i32>} : memref<128x128xf32, #tpu.memory_space<vmem>>, vector<1x16xf32>,
      %swap3A_48 = arith.index_cast %scan3A_27 : i32 to index
      %swap3A_49 = arith.constant 64 : index
      %swap3A_50 = tpu.vector_load %arg6[%swap3A_48, %swap3A_49] {strides = array<i32>} : memref<128x128xf32, #tpu.memory_space<vmem>>, vector<1x16xf32>,
      %swap3A_51 = vector.shape_cast %swap3A_50 : vector<1x16xf32> to vector<16xf32>
      %swap3A_52 = vector.shape_cast %broadcast_in_dim3A_3 : vector<16xf32> to vector<1x16xf32>
      tpu.vector_store %arg6[%swap3A_48, %swap3A_49], %swap3A_52 {strides = array<i32>} : memref<128x128xf32, #tpu.memory_space<vmem>>, vector<1x16xf32>,
      %swap3A_53 = arith.index_cast %scan3A_27 : i32 to index
      %swap3A_54 = arith.constant 80 : index
      %swap3A_55 = tpu.vector_load %arg6[%swap3A_53, %swap3A_54] {strides = array<i32>} : memref<128x128xf32, #tpu.memory_space<vmem>>, vector<1x16xf32>,
      %swap3A_56 = vector.shape_cast %swap3A_55 : vector<1x16xf32> to vector<16xf32>
      %swap3A_57 = vector.shape_cast %broadcast_in_dim3A_3 : vector<16xf32> to vector<1x16xf32>
      tpu.vector_store %arg6[%swap3A_53, %swap3A_54], %swap3A_57 {strides = array<i32>} : memref<128x128xf32, #tpu.memory_space<vmem>>, vector<1x16xf32>,
      %swap3A_58 = arith.index_cast %scan3A_27 : i32 to index
      %swap3A_59 = arith.constant 96 : index
      %swap3A_60 = tpu.vector_load %arg6[%swap3A_58, %swap3A_59] {strides = array<i32>} : memref<128x128xf32, #tpu.memory_space<vmem>>, vector<1x16xf32>,
      %swap3A_61 = vector.shape_cast %swap3A_60 : vector<1x16xf32> to vector<16xf32>
      %swap3A_62 = vector.shape_cast %broadcast_in_dim3A_3 : vector<16xf32> to vector<1x16xf32>
      tpu.vector_store %arg6[%swap3A_58, %swap3A_59], %swap3A_62 {strides = array<i32>} : memref<128x128xf32, #tpu.memory_space<vmem>>, vector<1x16xf32>,
      %swap3A_63 = arith.index_cast %scan3A_27 : i32 to index
      %swap3A_64 = arith.constant 112 : index
      %swap3A_65 = tpu.vector_load %arg6[%swap3A_63, %swap3A_64] {strides = array<i32>} : memref<128x128xf32, #tpu.memory_space<vmem>>, vector<1x16xf32>,
      %swap3A_66 = vector.shape_cast %swap3A_65 : vector<1x16xf32> to vector<16xf32>
      %swap3A_67 = vector.shape_cast %broadcast_in_dim3A_3 : vector<16xf32> to vector<1x16xf32>
      tpu.vector_store %arg6[%swap3A_63, %swap3A_64], %swap3A_67 {strides = array<i32>} : memref<128x128xf32, #tpu.memory_space<vmem>>, vector<1x16xf32>,
      %scan3A_68 = arith.constant 0 : i32
      scf.yield %scan3A_68 : i32
    }
    %scan3A_9 = arith.constant 128 : i32
    %scan3A_10 = arith.constant 0 : i32
    %scan3A_11 = arith.constant 0 : i32
    %scan3A_12 = arith.constant 4 : i32
    %scan3A_13 = arith.addi %scan3A_11, %scan3A_12 : i32
    %scan3A_14 = arith.constant 1 : i32
    %scan3A_15 = scf.for %scan3A_27 = %scan3A_11 to %scan3A_13 step %scan3A_14 iter_args(%scan3A_28 = %scan3A_10) -> (i32)  : i32 {
      %mul3A_29 = arith.constant 128 : i32
      %mul3A_30 = arith.muli %scan3A_27, %mul3A_29 : i32
      %add3A_31 = arith.addi %mul3A_2, %mul3A_30 : i32
      "tpu.region"() ({
        %run_scoped3A = tpu.sem_alloc : memref<!tpu.dma_semaphore, #tpu.memory_space<semaphore_mem>>
        %dma_start3A = arith.constant 0 : i32
        %dma_start3A_33 = tpu.memref_slice %arg9[%add3A_31, %dma_start3A] : memref<10112x128xf32, #tpu.memory_space<vmem_shared>> -> memref<128x128xf32, #tpu.memory_space<vmem_shared>>
        %dma_start3A_34 = arith.constant 0 : i32
        %dma_start3A_35 = tpu.memref_slice %arg9[%add3A_31, %dma_start3A_34] : memref<10112x128xf32, #tpu.memory_space<vmem_shared>> -> memref<128x128xf32, #tpu.memory_space<vmem_shared>>
        tpu.enqueue_dma source(%arg6 : memref<128x128xf32, #tpu.memory_space<vmem>>) target(%dma_start3A_35 : memref<128x128xf32, #tpu.memory_space<vmem_shared>>) target_semaphore(%run_scoped3A : memref<!tpu.dma_semaphore, #tpu.memory_space<semaphore_mem>>)
        %dma_wait3A = arith.constant 0 : i32
        %dma_wait3A_36 = tpu.memref_slice %arg9[%add3A_31, %dma_wait3A] : memref<10112x128xf32, #tpu.memory_space<vmem_shared>> -> memref<128x128xf32, #tpu.memory_space<vmem_shared>>
        %dma_wait3A_37 = arith.constant 0 : i32
        %dma_wait3A_38 = tpu.memref_slice %arg9[%add3A_31, %dma_wait3A_37] : memref<10112x128xf32, #tpu.memory_space<vmem_shared>> -> memref<128x128xf32, #tpu.memory_space<vmem_shared>>
        tpu.wait_dma2 semaphore(%run_scoped3A : memref<!tpu.dma_semaphore, #tpu.memory_space<semaphore_mem>>) src(%arg6 : memref<128x128xf32, #tpu.memory_space<vmem>>) dst(%dma_wait3A_38 : memref<128x128xf32, #tpu.memory_space<vmem_shared>>)
        tpu.yield
      }) : () -> ()
      %scan3A_32 = arith.constant 0 : i32
      scf.yield %scan3A_32 : i32
    }
    %scan3A_16 = arith.constant 4 : i32
    %add3A_17 = arith.constant 512 : i32
    %add3A_18 = arith.addi %mul3A_2, %add3A_17 : i32
    "tpu.region"() ({
      %run_scoped3A = tpu.sem_alloc : memref<!tpu.dma_semaphore, #tpu.memory_space<semaphore_mem>>
      %dma_start3A = arith.constant 0 : i32
      %dma_start3A_27 = arith.constant 0 : i32
      %dma_start3A_28 = tpu.memref_slice %arg6[%dma_start3A, %dma_start3A_27] : memref<128x128xf32, #tpu.memory_space<vmem>> -> memref<120x128xf32, #tpu.memory_space<vmem>>
      %dma_start3A_29 = arith.constant 0 : i32
      %dma_start3A_30 = tpu.memref_slice %arg9[%add3A_18, %dma_start3A_29] : memref<10112x128xf32, #tpu.memory_space<vmem_shared>> -> memref<120x128xf32, #tpu.memory_space<vmem_shared>>
      %dma_start3A_31 = arith.constant 0 : i32
      %dma_start3A_32 = tpu.memref_slice %arg9[%add3A_18, %dma_start3A_31] : memref<10112x128xf32, #tpu.memory_space<vmem_shared>> -> memref<120x128xf32, #tpu.memory_space<vmem_shared>>
      %dma_start3A_33 = arith.constant 0 : i32
      %dma_start3A_34 = arith.constant 0 : i32
      %dma_start3A_35 = tpu.memref_slice %arg6[%dma_start3A_33, %dma_start3A_34] : memref<128x128xf32, #tpu.memory_space<vmem>> -> memref<120x128xf32, #tpu.memory_space<vmem>>
      tpu.enqueue_dma source(%dma_start3A_35 : memref<120x128xf32, #tpu.memory_space<vmem>>) target(%dma_start3A_32 : memref<120x128xf32, #tpu.memory_space<vmem_shared>>) target_semaphore(%run_scoped3A : memref<!tpu.dma_semaphore, #tpu.memory_space<semaphore_mem>>)
      %dma_wait3A = arith.constant 0 : i32
      %dma_wait3A_36 = arith.constant 0 : i32
      %dma_wait3A_37 = tpu.memref_slice %arg6[%dma_wait3A, %dma_wait3A_36] : memref<128x128xf32, #tpu.memory_space<vmem>> -> memref<120x128xf32, #tpu.memory_space<vmem>>
      %dma_wait3A_38 = arith.constant 0 : i32
      %dma_wait3A_39 = tpu.memref_slice %arg9[%add3A_18, %dma_wait3A_38] : memref<10112x128xf32, #tpu.memory_space<vmem_shared>> -> memref<120x128xf32, #tpu.memory_space<vmem_shared>>
      %dma_wait3A_40 = arith.constant 0 : i32
      %dma_wait3A_41 = tpu.memref_slice %arg9[%add3A_18, %dma_wait3A_40] : memref<10112x128xf32, #tpu.memory_space<vmem_shared>> -> memref<120x128xf32, #tpu.memory_space<vmem_shared>>
      %dma_wait3A_42 = arith.constant 0 : i32
      %dma_wait3A_43 = arith.constant 0 : i32
      %dma_wait3A_44 = tpu.memref_slice %arg6[%dma_wait3A_42, %dma_wait3A_43] : memref<128x128xf32, #tpu.memory_space<vmem>> -> memref<120x128xf32, #tpu.memory_space<vmem>>
      tpu.wait_dma2 semaphore(%run_scoped3A : memref<!tpu.dma_semaphore, #tpu.memory_space<semaphore_mem>>) src(%dma_wait3A_44 : memref<120x128xf32, #tpu.memory_space<vmem>>) dst(%dma_wait3A_41 : memref<120x128xf32, #tpu.memory_space<vmem_shared>>)
      tpu.yield
    }) : () -> ()
    "tpu.region"() ({
      %run_scoped3A = tpu.sem_alloc : memref<!tpu.dma_semaphore, #tpu.memory_space<semaphore_mem>>
      %dma_start3A = arith.constant 0 : i32
      %dma_start3A_27 = arith.constant 0 : i32
      %dma_start3A_28 = tpu.memref_slice %arg3[%add3A, %dma_start3A, %dma_start3A_27] : memref<32x79x128xi32, #tpu.memory_space<hbm>> -> memref<1x79x128xi32, #tpu.memory_space<hbm>>
      %dma_start3A_29 = tpu.memref_squeeze %dma_start3A_28 : memref<1x79x128xi32, #tpu.memory_space<hbm>> -> memref<79x128xi32, #tpu.memory_space<hbm>>
      %dma_start3A_30 = arith.constant 0 : i32
      %dma_start3A_31 = arith.constant 0 : i32
      %dma_start3A_32 = tpu.memref_slice %arg3[%add3A, %dma_start3A_30, %dma_start3A_31] : memref<32x79x128xi32, #tpu.memory_space<hbm>> -> memref<1x79x128xi32, #tpu.memory_space<hbm>>
      %dma_start3A_33 = tpu.memref_squeeze %dma_start3A_32 : memref<1x79x128xi32, #tpu.memory_space<hbm>> -> memref<79x128xi32, #tpu.memory_space<hbm>>
      tpu.enqueue_dma source(%dma_start3A_33 : memref<79x128xi32, #tpu.memory_space<hbm>>) target(%arg7 : memref<79x128xi32, #tpu.memory_space<vmem>>) target_semaphore(%run_scoped3A : memref<!tpu.dma_semaphore, #tpu.memory_space<semaphore_mem>>)
      %dma_wait3A = arith.constant 0 : i32
      %dma_wait3A_34 = arith.constant 0 : i32
      %dma_wait3A_35 = tpu.memref_slice %arg3[%add3A, %dma_wait3A, %dma_wait3A_34] : memref<32x79x128xi32, #tpu.memory_space<hbm>> -> memref<1x79x128xi32, #tpu.memory_space<hbm>>
      %dma_wait3A_36 = tpu.memref_squeeze %dma_wait3A_35 : memref<1x79x128xi32, #tpu.memory_space<hbm>> -> memref<79x128xi32, #tpu.memory_space<hbm>>
      %dma_wait3A_37 = arith.constant 0 : i32
      %dma_wait3A_38 = arith.constant 0 : i32
      %dma_wait3A_39 = tpu.memref_slice %arg3[%add3A, %dma_wait3A_37, %dma_wait3A_38] : memref<32x79x128xi32, #tpu.memory_space<hbm>> -> memref<1x79x128xi32, #tpu.memory_space<hbm>>
      %dma_wait3A_40 = tpu.memref_squeeze %dma_wait3A_39 : memref<1x79x128xi32, #tpu.memory_space<hbm>> -> memref<79x128xi32, #tpu.memory_space<hbm>>
      tpu.wait_dma2 semaphore(%run_scoped3A : memref<!tpu.dma_semaphore, #tpu.memory_space<semaphore_mem>>) src(%dma_wait3A_40 : memref<79x128xi32, #tpu.memory_space<hbm>>) dst(%arg7 : memref<79x128xi32, #tpu.memory_space<vmem>>)
      tpu.yield
    }) : () -> ()
    "tpu.region"() ({
      %run_scoped3A = tpu.sem_alloc : memref<!tpu.dma_semaphore, #tpu.memory_space<semaphore_mem>>
      %dma_start3A = arith.constant 0 : i32
      %dma_start3A_27 = arith.constant 0 : i32
      %dma_start3A_28 = tpu.memref_slice %arg4[%add3A, %dma_start3A, %dma_start3A_27] : memref<32x79x128xi32, #tpu.memory_space<hbm>> -> memref<1x79x128xi32, #tpu.memory_space<hbm>>
      %dma_start3A_29 = tpu.memref_squeeze %dma_start3A_28 : memref<1x79x128xi32, #tpu.memory_space<hbm>> -> memref<79x128xi32, #tpu.memory_space<hbm>>
      %dma_start3A_30 = arith.constant 0 : i32
      %dma_start3A_31 = arith.constant 0 : i32
      %dma_start3A_32 = tpu.memref_slice %arg4[%add3A, %dma_start3A_30, %dma_start3A_31] : memref<32x79x128xi32, #tpu.memory_space<hbm>> -> memref<1x79x128xi32, #tpu.memory_space<hbm>>
      %dma_start3A_33 = tpu.memref_squeeze %dma_start3A_32 : memref<1x79x128xi32, #tpu.memory_space<hbm>> -> memref<79x128xi32, #tpu.memory_space<hbm>>
      tpu.enqueue_dma source(%dma_start3A_33 : memref<79x128xi32, #tpu.memory_space<hbm>>) target(%arg8 : memref<79x128xi32, #tpu.memory_space<vmem>>) target_semaphore(%run_scoped3A : memref<!tpu.dma_semaphore, #tpu.memory_space<semaphore_mem>>)
      %dma_wait3A = arith.constant 0 : i32
      %dma_wait3A_34 = arith.constant 0 : i32
      %dma_wait3A_35 = tpu.memref_slice %arg4[%add3A, %dma_wait3A, %dma_wait3A_34] : memref<32x79x128xi32, #tpu.memory_space<hbm>> -> memref<1x79x128xi32, #tpu.memory_space<hbm>>
      %dma_wait3A_36 = tpu.memref_squeeze %dma_wait3A_35 : memref<1x79x128xi32, #tpu.memory_space<hbm>> -> memref<79x128xi32, #tpu.memory_space<hbm>>
      %dma_wait3A_37 = arith.constant 0 : i32
      %dma_wait3A_38 = arith.constant 0 : i32
      %dma_wait3A_39 = tpu.memref_slice %arg4[%add3A, %dma_wait3A_37, %dma_wait3A_38] : memref<32x79x128xi32, #tpu.memory_space<hbm>> -> memref<1x79x128xi32, #tpu.memory_space<hbm>>
      %dma_wait3A_40 = tpu.memref_squeeze %dma_wait3A_39 : memref<1x79x128xi32, #tpu.memory_space<hbm>> -> memref<79x128xi32, #tpu.memory_space<hbm>>
      tpu.wait_dma2 semaphore(%run_scoped3A : memref<!tpu.dma_semaphore, #tpu.memory_space<semaphore_mem>>) src(%dma_wait3A_40 : memref<79x128xi32, #tpu.memory_space<hbm>>) dst(%arg8 : memref<79x128xi32, #tpu.memory_space<vmem>>)
      tpu.yield
    }) : () -> ()
    %barrier3A = arith.constant 0 : index
    tpu.barrier barrier_id(%barrier3A)
    %scan3A_19 = arith.constant 0 : i32
    %scan3A_20 = arith.constant 0 : i32
    %scan3A_21 = arith.constant 79 : i32
    %scan3A_22 = arith.addi %scan3A_20, %scan3A_21 : i32
    %scan3A_23 = arith.constant 1 : i32
    %scan3A_24 = scf.for %scan3A_27 = %scan3A_20 to %scan3A_22 step %scan3A_23 iter_args(%scan3A_28 = %scan3A_19) -> (i32)  : i32 {
      %dma_start3A = arith.constant 0 : i32
      %dma_start3A_29 = tpu.memref_slice %arg7[%scan3A_27, %dma_start3A] : memref<79x128xi32, #tpu.memory_space<vmem>> -> memref<1x128xi32, #tpu.memory_space<vmem>>
      %dma_start3A_30 = tpu.memref_squeeze %dma_start3A_29 : memref<1x128xi32, #tpu.memory_space<vmem>> -> memref<128xi32, #tpu.memory_space<vmem>>
      %dma_start3A_31 = arith.constant 0 : i32
      %dma_start3A_32 = arith.constant 0 : i32
      %dma_start3A_33 = tpu.memref_slice %arg2[%dma_start3A_31, %dma_start3A_32] : memref<10000x128xf32, #tpu.memory_space<hbm>> -> memref<10000x128xf32, #tpu.memory_space<hbm>>
      tpu.enqueue_indirect_dma source(%dma_start3A_33 : memref<10000x128xf32, #tpu.memory_space<hbm>>) target(%arg6 : memref<128x128xf32, #tpu.memory_space<vmem>>) offsets(%dma_start3A_30 : memref<128xi32, #tpu.memory_space<vmem>>) semaphore(%arg10 : memref<!tpu.dma_semaphore, #tpu.memory_space<semaphore_mem>>)
      %dma_wait3A = arith.constant 0 : i32
      %dma_wait3A_34 = tpu.memref_slice %arg7[%scan3A_27, %dma_wait3A] : memref<79x128xi32, #tpu.memory_space<vmem>> -> memref<1x128xi32, #tpu.memory_space<vmem>>
      %dma_wait3A_35 = tpu.memref_squeeze %dma_wait3A_34 : memref<1x128xi32, #tpu.memory_space<vmem>> -> memref<128xi32, #tpu.memory_space<vmem>>
      %dma_wait3A_36 = arith.constant 0 : i32
      %dma_wait3A_37 = arith.constant 0 : i32
      %dma_wait3A_38 = tpu.memref_slice %arg2[%dma_wait3A_36, %dma_wait3A_37] : memref<10000x128xf32, #tpu.memory_space<hbm>> -> memref<10000x128xf32, #tpu.memory_space<hbm>>
      tpu.wait_indirect_dma semaphore(%arg10 : memref<!tpu.dma_semaphore, #tpu.memory_space<semaphore_mem>>) src(%dma_wait3A_38 : memref<10000x128xf32, #tpu.memory_space<hbm>>) dst(%arg6 : memref<128x128xf32, #tpu.memory_space<vmem>>)
      "tpu.region"() ({
        %run_scoped3A = tpu.sem_alloc : memref<!tpu.dma_semaphore, #tpu.memory_space<semaphore_mem>>
        %dma_start3A_40 = arith.constant 0 : i32
        %dma_start3A_41 = tpu.memref_slice %arg8[%scan3A_27, %dma_start3A_40] : memref<79x128xi32, #tpu.memory_space<vmem>> -> memref<1x128xi32, #tpu.memory_space<vmem>>
        %dma_start3A_42 = tpu.memref_squeeze %dma_start3A_41 : memref<1x128xi32, #tpu.memory_space<vmem>> -> memref<128xi32, #tpu.memory_space<vmem>>
        %dma_start3A_43 = arith.constant 0 : i32
        %dma_start3A_44 = arith.constant 0 : i32
        %dma_start3A_45 = tpu.memref_slice %arg9[%dma_start3A_43, %dma_start3A_44] : memref<10112x128xf32, #tpu.memory_space<vmem_shared>> -> memref<10112x128xf32, #tpu.memory_space<vmem_shared>>
        tpu.enqueue_indirect_dma source(%arg6 : memref<128x128xf32, #tpu.memory_space<vmem>>) target(%dma_start3A_45 : memref<10112x128xf32, #tpu.memory_space<vmem_shared>>) offsets(%dma_start3A_42 : memref<128xi32, #tpu.memory_space<vmem>>) semaphore(%run_scoped3A : memref<!tpu.dma_semaphore, #tpu.memory_space<semaphore_mem>>) {add = true}
        %dma_wait3A_46 = arith.constant 0 : i32
        %dma_wait3A_47 = tpu.memref_slice %arg8[%scan3A_27, %dma_wait3A_46] : memref<79x128xi32, #tpu.memory_space<vmem>> -> memref<1x128xi32, #tpu.memory_space<vmem>>
        %dma_wait3A_48 = tpu.memref_squeeze %dma_wait3A_47 : memref<1x128xi32, #tpu.memory_space<vmem>> -> memref<128xi32, #tpu.memory_space<vmem>>
        %dma_wait3A_49 = arith.constant 0 : i32
        %dma_wait3A_50 = arith.constant 0 : i32
        %dma_wait3A_51 = tpu.memref_slice %arg9[%dma_wait3A_49, %dma_wait3A_50] : memref<10112x128xf32, #tpu.memory_space<vmem_shared>> -> memref<10112x128xf32, #tpu.memory_space<vmem_shared>>
        tpu.wait_indirect_dma semaphore(%run_scoped3A : memref<!tpu.dma_semaphore, #tpu.memory_space<semaphore_mem>>) src(%arg6 : memref<128x128xf32, #tpu.memory_space<vmem>>) dst(%dma_wait3A_51 : memref<10112x128xf32, #tpu.memory_space<vmem_shared>>)
        tpu.yield
      }) : () -> ()
      %scan3A_39 = arith.constant 0 : i32
      scf.yield %scan3A_39 : i32
    }
    %scan3A_25 = arith.constant 79 : i32
    %barrier3A_26 = arith.constant 0 : index
    tpu.barrier barrier_id(%barrier3A_26)
    "tpu.region"() ({
      %run_scoped3A = tpu.sem_alloc : memref<!tpu.dma_semaphore, #tpu.memory_space<semaphore_mem>>
      %dma_start3A = arith.constant 0 : i32
      %dma_start3A_27 = tpu.memref_slice %arg5[%arg0, %mul3A_2, %dma_start3A] : memref<2x10112x128xf32, #tpu.memory_space<hbm>> -> memref<1x632x128xf32, #tpu.memory_space<hbm>>
      %dma_start3A_28 = tpu.memref_squeeze %dma_start3A_27 : memref<1x632x128xf32, #tpu.memory_space<hbm>> -> memref<632x128xf32, #tpu.memory_space<hbm>>
      %dma_start3A_29 = arith.constant 0 : i32
      %dma_start3A_30 = tpu.memref_slice %arg9[%mul3A_2, %dma_start3A_29] : memref<10112x128xf32, #tpu.memory_space<vmem_shared>> -> memref<632x128xf32, #tpu.memory_space<vmem_shared>>
      tpu.enqueue_dma source(%dma_start3A_30 : memref<632x128xf32, #tpu.memory_space<vmem_shared>>) target(%dma_start3A_28 : memref<632x128xf32, #tpu.memory_space<hbm>>) target_semaphore(%run_scoped3A : memref<!tpu.dma_semaphore, #tpu.memory_space<semaphore_mem>>)
      %dma_wait3A = arith.constant 0 : i32
      %dma_wait3A_31 = tpu.memref_slice %arg5[%arg0, %mul3A_2, %dma_wait3A] : memref<2x10112x128xf32, #tpu.memory_space<hbm>> -> memref<1x632x128xf32, #tpu.memory_space<hbm>>
      %dma_wait3A_32 = tpu.memref_squeeze %dma_wait3A_31 : memref<1x632x128xf32, #tpu.memory_space<hbm>> -> memref<632x128xf32, #tpu.memory_space<hbm>>
      %dma_wait3A_33 = arith.constant 0 : i32
      %dma_wait3A_34 = tpu.memref_slice %arg9[%mul3A_2, %dma_wait3A_33] : memref<10112x128xf32, #tpu.memory_space<vmem_shared>> -> memref<632x128xf32, #tpu.memory_space<vmem_shared>>
      tpu.wait_dma2 semaphore(%run_scoped3A : memref<!tpu.dma_semaphore, #tpu.memory_space<semaphore_mem>>) src(%dma_wait3A_34 : memref<632x128xf32, #tpu.memory_space<vmem_shared>>) dst(%dma_wait3A_32 : memref<632x128xf32, #tpu.memory_space<hbm>>)
      tpu.yield
    }) : () -> ()
    return
  }
}

module attributes {stable_mosaic.version = 14 : i64} {
  func.func @body(%arg0: i32, %arg1: memref<2x2000x128xf32, #tpu.memory_space<vmem>>, %arg2: memref<2x2000x128xf32, #tpu.memory_space<vmem>>, %arg3: memref<2000x128xf32, #tpu.memory_space<vmem>>, %arg4: memref<144x128xf32, #tpu.memory_space<vmem>>, %arg5: memref<256x128xf32, #tpu.memory_space<vmem>>, %arg6: memref<1x128xf32, #tpu.memory_space<vmem>>, %arg7: memref<1x128xf32, #tpu.memory_space<vmem>>, %arg8: memref<2000x128xf32, #tpu.memory_space<vmem>>) attributes {dimension_semantics = [#tpu.dimension_semantics<arbitrary>], iteration_bounds = array<i64: 5>, scalar_prefetch = 0 : i64, scratch_operands = 0 : i64, tpu.core_type = #tpu.core_type<tc>, window_params = [{transform_indices = @transform_0, window_bounds = array<i64: 2, 2000, 128>}, {transform_indices = @transform_1, window_bounds = array<i64: 2, 2000, 128>}, {transform_indices = @transform_2, window_bounds = array<i64: 2000, 128>}, {pipeline_mode = #tpu.pipeline_mode<synchronous>, transform_indices = @transform_3, window_bounds = array<i64: 144, 128>}, {pipeline_mode = #tpu.pipeline_mode<synchronous>, transform_indices = @transform_4, window_bounds = array<i64: 256, 128>}, {pipeline_mode = #tpu.pipeline_mode<synchronous>, transform_indices = @transform_5, window_bounds = array<i64: 1, 128>}, {pipeline_mode = #tpu.pipeline_mode<synchronous>, transform_indices = @transform_6, window_bounds = array<i64: 1, 128>}, {transform_indices = @transform_7, window_bounds = array<i64: 2000, 128>}]} {
    %get3A = arith.constant 0 : index
    %get3A_0 = arith.constant 0 : index
    %get3A_1 = arith.constant 0 : index
    %get3A_2 = vector.load %arg1[%get3A, %get3A_0, %get3A_1] : memref<2x2000x128xf32, #tpu.memory_space<vmem>>, vector<1x2000x128xf32>
    %get3A_3 = vector.shape_cast %get3A_2 : vector<1x2000x128xf32> to vector<2000x128xf32>
    %get3A_4 = arith.constant 1 : index
    %get3A_5 = arith.constant 0 : index
    %get3A_6 = arith.constant 0 : index
    %get3A_7 = vector.load %arg1[%get3A_4, %get3A_5, %get3A_6] : memref<2x2000x128xf32, #tpu.memory_space<vmem>>, vector<1x2000x128xf32>
    %get3A_8 = vector.shape_cast %get3A_7 : vector<1x2000x128xf32> to vector<2000x128xf32>
    %add3A = arith.addf %get3A_3, %get3A_8 : vector<2000x128xf32>
    %get3A_9 = arith.constant 0 : index
    %get3A_10 = arith.constant 0 : index
    %get3A_11 = arith.constant 0 : index
    %get3A_12 = vector.load %arg2[%get3A_9, %get3A_10, %get3A_11] : memref<2x2000x128xf32, #tpu.memory_space<vmem>>, vector<1x2000x128xf32>
    %get3A_13 = vector.shape_cast %get3A_12 : vector<1x2000x128xf32> to vector<2000x128xf32>
    %get3A_14 = arith.constant 1 : index
    %get3A_15 = arith.constant 0 : index
    %get3A_16 = arith.constant 0 : index
    %get3A_17 = vector.load %arg2[%get3A_14, %get3A_15, %get3A_16] : memref<2x2000x128xf32, #tpu.memory_space<vmem>>, vector<1x2000x128xf32>
    %get3A_18 = vector.shape_cast %get3A_17 : vector<1x2000x128xf32> to vector<2000x128xf32>
    %add3A_19 = arith.addf %get3A_13, %get3A_18 : vector<2000x128xf32>
    %slice3A = vector.extract_strided_slice %add3A_19 {offsets = [0, 0], sizes = [2000, 16], strides = [1, 1]} : vector<2000x128xf32> to vector<2000x16xf32>
    %slice3A_20 = vector.extract_strided_slice %add3A_19 {offsets = [0, 16], sizes = [2000, 1], strides = [1, 1]} : vector<2000x128xf32> to vector<2000x1xf32>
    %get3A_21 = arith.constant 0 : index
    %get3A_22 = arith.constant 0 : index
    %get3A_23 = vector.load %arg4[%get3A_21, %get3A_22] : memref<144x128xf32, #tpu.memory_space<vmem>>, vector<128x128xf32>
    %dot_general3A = arith.constant dense<0.000000e+00> : vector<2000x128xf32>
    %dot_general3A_24 = tpu.matmul %add3A, %get3A_23, %dot_general3A {dimension_numbers = #tpu.dot_dimension_numbers<[1], [0], [0], [1], [0, 0, 1, 1], [], []>, transpose_lhs_hint = false} : vector<2000x128xf32>, vector<128x128xf32>, vector<2000x128xf32> -> vector<2000x128xf32>
    %get3A_25 = arith.constant 128 : index
    %get3A_26 = arith.constant 0 : index
    %get3A_27 = vector.load %arg4[%get3A_25, %get3A_26] : memref<144x128xf32, #tpu.memory_space<vmem>>, vector<16x128xf32>
    %dot_general3A_28 = arith.constant dense<0.000000e+00> : vector<2000x128xf32>
    %dot_general3A_29 = tpu.matmul %slice3A, %get3A_27, %dot_general3A_28 {dimension_numbers = #tpu.dot_dimension_numbers<[1], [0], [0], [1], [0, 0, 1, 1], [], []>, transpose_lhs_hint = false} : vector<2000x16xf32>, vector<16x128xf32>, vector<2000x128xf32> -> vector<2000x128xf32>
    %add3A_30 = arith.addf %dot_general3A_24, %dot_general3A_29 : vector<2000x128xf32>
    %get3A_31 = arith.constant 0 : index
    %get3A_32 = arith.constant 0 : index
    %get3A_33 = vector.load %arg6[%get3A_31, %get3A_32] : memref<1x128xf32, #tpu.memory_space<vmem>>, vector<1x128xf32>
    %mul3A = vector.broadcast %slice3A_20 : vector<2000x1xf32> to vector<2000x128xf32>
    %mul3A_34 = vector.broadcast %get3A_33 : vector<1x128xf32> to vector<2000x128xf32>
    %mul3A_35 = arith.mulf %mul3A, %mul3A_34 : vector<2000x128xf32>
    %add3A_36 = arith.addf %add3A_30, %mul3A_35 : vector<2000x128xf32>
    %max3A = arith.constant 1.000000e+00 : f32
    %max3A_37 = vector.broadcast %max3A : f32 to vector<2000x1xf32>
    %max3A_38 = arith.maximumf %slice3A_20, %max3A_37 : vector<2000x1xf32>
    %div3A = vector.broadcast %max3A_38 : vector<2000x1xf32> to vector<2000x128xf32>
    %div3A_39 = arith.divf %add3A_36, %div3A : vector<2000x128xf32>
    %get3A_40 = arith.constant 0 : index
    %get3A_41 = arith.constant 0 : index
    %get3A_42 = vector.load %arg3[%get3A_40, %get3A_41] : memref<2000x128xf32, #tpu.memory_space<vmem>>, vector<2000x128xf32>
    %get3A_43 = arith.constant 0 : index
    %get3A_44 = arith.constant 0 : index
    %get3A_45 = vector.load %arg5[%get3A_43, %get3A_44] : memref<256x128xf32, #tpu.memory_space<vmem>>, vector<128x128xf32>
    %dot_general3A_46 = arith.constant dense<0.000000e+00> : vector<2000x128xf32>
    %dot_general3A_47 = tpu.matmul %get3A_42, %get3A_45, %dot_general3A_46 {dimension_numbers = #tpu.dot_dimension_numbers<[1], [0], [0], [1], [0, 0, 1, 1], [], []>, transpose_lhs_hint = false} : vector<2000x128xf32>, vector<128x128xf32>, vector<2000x128xf32> -> vector<2000x128xf32>
    %get3A_48 = arith.constant 128 : index
    %get3A_49 = arith.constant 0 : index
    %get3A_50 = vector.load %arg5[%get3A_48, %get3A_49] : memref<256x128xf32, #tpu.memory_space<vmem>>, vector<128x128xf32>
    %dot_general3A_51 = arith.constant dense<0.000000e+00> : vector<2000x128xf32>
    %dot_general3A_52 = tpu.matmul %div3A_39, %get3A_50, %dot_general3A_51 {dimension_numbers = #tpu.dot_dimension_numbers<[1], [0], [0], [1], [0, 0, 1, 1], [], []>, transpose_lhs_hint = false} : vector<2000x128xf32>, vector<128x128xf32>, vector<2000x128xf32> -> vector<2000x128xf32>
    %add3A_53 = arith.addf %dot_general3A_47, %dot_general3A_52 : vector<2000x128xf32>
    %get3A_54 = arith.constant 0 : index
    %get3A_55 = arith.constant 0 : index
    %get3A_56 = vector.load %arg7[%get3A_54, %get3A_55] : memref<1x128xf32, #tpu.memory_space<vmem>>, vector<1x128xf32>
    %add3A_57 = vector.broadcast %get3A_56 : vector<1x128xf32> to vector<2000x128xf32>
    %add3A_58 = arith.addf %add3A_53, %add3A_57 : vector<2000x128xf32>
    %max3A_59 = arith.constant 0.000000e+00 : f32
    %max3A_60 = vector.broadcast %max3A_59 : f32 to vector<2000x128xf32>
    %max3A_61 = arith.maximumf %add3A_58, %max3A_60 : vector<2000x128xf32>
    %swap3A = arith.constant 0 : index
    %swap3A_62 = arith.constant 0 : index
    %swap3A_63 = vector.load %arg8[%swap3A, %swap3A_62] : memref<2000x128xf32, #tpu.memory_space<vmem>>, vector<2000x128xf32>
    tpu.vector_store %arg8[%swap3A, %swap3A_62], %max3A_61 {strides = array<i32>} : memref<2000x128xf32, #tpu.memory_space<vmem>>, vector<2000x128xf32>,
    return
  }
  func.func @transform_0(%arg0: i32) -> (i32, i32, i32) {
    %c0_i32 = arith.constant 0 : i32
    %c0_i32_0 = arith.constant 0 : i32
    %c0_i32_1 = arith.constant 0 : i32
    return %c0_i32, %arg0, %c0_i32_0 : i32, i32, i32
  }
  func.func @transform_1(%arg0: i32) -> (i32, i32, i32) {
    %c0_i32 = arith.constant 0 : i32
    %c0_i32_0 = arith.constant 0 : i32
    %c0_i32_1 = arith.constant 0 : i32
    return %c0_i32, %arg0, %c0_i32_0 : i32, i32, i32
  }
  func.func @transform_2(%arg0: i32) -> (i32, i32) {
    %c0_i32 = arith.constant 0 : i32
    %c0_i32_0 = arith.constant 0 : i32
    return %arg0, %c0_i32 : i32, i32
  }
  func.func @transform_3(%arg0: i32) -> (i32, i32) {
    %c0_i32 = arith.constant 0 : i32
    %c0_i32_0 = arith.constant 0 : i32
    %c0_i32_1 = arith.constant 0 : i32
    return %c0_i32, %c0_i32_0 : i32, i32
  }
  func.func @transform_4(%arg0: i32) -> (i32, i32) {
    %c0_i32 = arith.constant 0 : i32
    %c0_i32_0 = arith.constant 0 : i32
    %c0_i32_1 = arith.constant 0 : i32
    return %c0_i32, %c0_i32_0 : i32, i32
  }
  func.func @transform_5(%arg0: i32) -> (i32, i32) {
    %c0_i32 = arith.constant 0 : i32
    %c0_i32_0 = arith.constant 0 : i32
    %c0_i32_1 = arith.constant 0 : i32
    return %c0_i32, %c0_i32_0 : i32, i32
  }
  func.func @transform_6(%arg0: i32) -> (i32, i32) {
    %c0_i32 = arith.constant 0 : i32
    %c0_i32_0 = arith.constant 0 : i32
    %c0_i32_1 = arith.constant 0 : i32
    return %c0_i32, %c0_i32_0 : i32, i32
  }
  func.func @transform_7(%arg0: i32) -> (i32, i32) {
    %c0_i32 = arith.constant 0 : i32
    %c0_i32_0 = arith.constant 0 : i32
    return %arg0, %c0_i32 : i32, i32
  }
}

</mosaic_0001>

<sc_bundles>
// kernel: kernel.5.cloned.1.call-start
scs
__scs_entry_jumppad:
0x0: {  	(pc) =	sbr.rel $0x88, $3  }
0x1: {  	(tag) =	ssettag $0x0;
	lr =	simm.s32 $0x1  }
0x2: {  	[smem:$0x3F9A] =	sst lr;
	_ =	strace $0xD0000000  }
0x3: {  	_ = 	snop  }
0x4: {  	_ = 	snop  }
0x5: {  	_ = 	snop  }
0x6: {  	_ = 	snop  }
0x7: {  	_ = 	snop  }
__scs_overlays_trampoline_lowered:
0x8: {  	[smem:$0x3FA9] =	sst s0  }
0x9: {  	[smem:$0x3FAA] =	sst s1  }
0xa: {  	[smem:$0x3FAB] =	sst s2  }
0xb: {  	[smem:$0x3FAC] =	sst s3  }
0xc: {  	[smem:$0x3FAD] =	sst s4  }
0xd: {  	[smem:$0x3FAE] =	sst s5  }
0xe: {  	[smem:$0x3FAF] =	sst s6  }
0xf: {  	[smem:$0x3FB0] =	sst s7  }
0x10: {  	[smem:$0x3FB1] =	sst s8  }
0x11: {  	[smem:$0x3FB2] =	sst s9;
	s0 =	simm.s32 @!p0 $0x0  }
0x12: {  	s1 =	sld [smem:$0x3F98];
	s0 =	simm.s32 @p0 $0x1  }
0x13: {  	[smem:$0x3FB3] =	sst s0;
	s0 =	simm.s32 @!p1 $0x0  }
0x14: {  	s2 =	sld [smem:$0x3F97];
	s0 =	simm.s32 @p1 $0x1  }
0x15: {  	[smem:$0x3FB4] =	sst s0;
	s0 =	simm.s32 @!p2 $0x0  }
0x16: {  	s3 =	sld [smem:$0x3FDB];
	s0 =	simm.s32 @p2 $0x1  }
0x17: {  	s4 =	simm.s32 $0x1BF5;
	[smem:$0x3FB6] =	sst s0  }
0x18: {  	s0 =	sld [smem:$0x3F99];
	_ =	swait.ge [sflag:s4], $0x0  }
0x19: {  	s7 =	sld [smem:$0x3F9A]  }
0x1a: {  	s8 =	sadd.s32 $0xFFFFE003, lr  }
0x1b: {  	s9 =	sadd.s32 $0xFFFFFEF7, lr;
	s5 =	simm.s32 $0xFFFFFFFF;
	p2 =	slt.u32 s8, $0xFFFFF086  }
0x1c: {  	p1 =	slt.u32 s9, $0xF7A;
	s5 =	simm.s32 @!p2 $0x0  }
0x1d: {  	s5 =	simm.s32 @p1 $0x1;
	p0 =	seq.s32 s7, s2  }
0x1e: {  	s7 =	smul.u32 @!p0 $0xF7A, s2;
	p2 =	seq.s32 @!p0 s5, $0x0  }
0x1f: {  	s9 =	smul.u32 $0xF7A, s1;
	s8 =	simm.s32 @!p0 $0x1BF5;
	p2 =	por !p2, p0  }
0x20: {  	[sflag:s8] =	ssyncset.s32 @!p0 $0xFFFFF086;
	s6 =	sadd.s32 @!p0 s3, s7;
	s7 =	simm.s32 @!p0 $0x108  }
0x21: {  	s3 =	sadd.s32 s3, s9;
	s6 =	sadd.s32 @!p0 $0x88, s6;
	s7 =	simm.s32 @p2 $0x1082  }
0x22: {  	[simem:s7], [sflag:s8] =	dma.local @!p0 [hbm:s6], $0xF7A  }
0x23: {  	s9 =	sor.u32 $0xD0000000, s2;
	s6 =	simm.s32 $0x108;
	_ =	swait.ge @!p0 [sflag:s8], $0x0  }
0x24: {  	s3 =	sadd.s32 $0x88, s3;
	s6 =	simm.s32 @!p1 $0x1082;
	[sflag:s4] =	ssyncset.s32 $0xFFFFF086  }
0x25: {  	[simem:s6], [sflag:s4] =	dma.local [hbm:s3], $0xF7A  }
0x26: {  	[smem:$0x3F9A] =	sst s1;
	(tag) =	ssettag s2;
	_ =	strace s9  }
0x27: {  	s1 =	sld [smem:$0x3FAA]  }
0x28: {  	s2 =	sld [smem:$0x3FAB]  }
0x29: {  	s4 =	sld [smem:$0x3FAD]  }
0x2a: {  	p0 =	seq.s32 s5, $0x0;
	s5 =	sld [smem:$0x3FAE]  }
0x2b: {  	s6 =	sld [smem:$0x3FAF]  }
0x2c: {  	s7 =	sld [smem:$0x3FB0]  }
0x2d: {  	s3 =	simm.s32 $0x108;
	s8 =	sld [smem:$0x3FB1]  }
0x2e: {  	s3 =	simm.s32 @!p0 $0x1082;
	s9 =	sld [smem:$0x3FB2]  }
0x2f: {  	lr =	sadd.s32 s0, s3;
	s0 =	sld [smem:$0x3FA9]  }
0x30: {  	s3 =	sld [smem:$0x3FAC]  }
0x31: {  	[smem:$0x3FB5] =	sst s10  }
0x32: {  	s10 =	sld [smem:$0x3FB3];
	_ =	sdelay $0x3  }
0x33: {  	p0 =	seq.s32 s10, $0x1;
	s10 =	sld [smem:$0x3FB5];
	_ =	sdelay $0x3  }
0x34: {  	[smem:$0x3FB5] =	sst s10  }
0x35: {  	s10 =	sld [smem:$0x3FB4];
	_ =	sdelay $0x3  }
0x36: {  	p1 =	seq.s32 s10, $0x1;
	s10 =	sld [smem:$0x3FB5];
	_ =	sdelay $0x3  }
0x37: {  	[smem:$0x3FB5] =	sst s10  }
0x38: {  	s10 =	sld [smem:$0x3FB6]  }
0x39: {  	_ = 	snop;
	(pc) =	sbr.ind lr, $3  }
0x3a: {  	_ = 	snop  }
0x3b: {  	_ = 	snop  }
0x3c: {  	p2 =	seq.s32 s10, $0x1;
	s10 =	sld [smem:$0x3FB5]  }
0x3d: {  	_ =	shalt  }
0x3e: {  	_ =	shalt  }
0x3f: {  	_ =	shalt  }
0x40: {  	_ =	shalt  }
0x41: {  	_ =	shalt  }
0x42: {  	_ =	shalt  }
0x43: {  	_ =	shalt  }
0x44: {  	_ =	shalt  }
0x45: {  	_ =	shalt  }
0x46: {  	_ =	shalt  }
0x47: {  	_ =	shalt  }
0x48: {  	_ =	shalt  }
0x49: {  	_ =	shalt  }
0x4a: {  	_ =	shalt  }
0x4b: {  	_ =	shalt  }
0x4c: {  	_ =	shalt  }
0x4d: {  	_ =	shalt  }
0x4e: {  	_ =	shalt  }
0x4f: {  	_ =	shalt  }
0x50: {  	_ =	shalt  }
0x51: {  	_ =	shalt  }
0x52: {  	_ =	shalt  }
0x53: {  	_ =	shalt  }
0x54: {  	_ =	shalt  }
0x55: {  	_ =	shalt  }
0x56: {  	_ =	shalt  }
0x57: {  	_ =	shalt  }
0x58: {  	_ =	shalt  }
0x59: {  	_ =	shalt  }
0x5a: {  	_ =	shalt  }
0x5b: {  	_ =	shalt  }
0x5c: {  	_ =	shalt  }
0x5d: {  	_ =	shalt  }
0x5e: {  	_ =	shalt  }
0x5f: {  	_ =	shalt  }
0x60: {  	_ =	shalt  }
0x61: {  	_ =	shalt  }
0x62: {  	_ =	shalt  }
0x63: {  	_ =	shalt  }
0x64: {  	_ =	shalt  }
0x65: {  	_ =	shalt  }
0x66: {  	_ =	shalt  }
0x67: {  	_ =	shalt  }
0x68: {  	_ =	shalt  }
0x69: {  	_ =	shalt  }
0x6a: {  	_ =	shalt  }
0x6b: {  	_ =	shalt  }
0x6c: {  	_ =	shalt  }
0x6d: {  	_ =	shalt  }
0x6e: {  	_ =	shalt  }
0x6f: {  	_ =	shalt  }
0x70: {  	_ =	shalt  }
0x71: {  	_ =	shalt  }
0x72: {  	_ =	shalt  }
0x73: {  	_ =	shalt  }
0x74: {  	_ =	shalt  }
0x75: {  	_ =	shalt  }
0x76: {  	_ =	shalt  }
0x77: {  	_ =	shalt  }
0x78: {  	_ =	shalt  }
0x79: {  	_ =	shalt  }
0x7a: {  	_ =	shalt  }
0x7b: {  	_ =	shalt  }
0x7c: {  	_ =	shalt  }
0x7d: {  	_ =	shalt  }
0x7e: {  	_ =	shalt  }
0x7f: {  	_ =	shalt  }
0x80: {  	_ =	shalt  }
0x81: {  	_ =	shalt  }
0x82: {  	_ =	shalt  }
0x83: {  	_ =	shalt  }
0x84: {  	_ =	shalt  }
0x85: {  	_ =	shalt  }
0x86: {  	_ =	shalt  }
0x87: {  	_ =	shalt  }
.Lfunc_end0:
.L_simem_size_0:
called_computation_lowered:
.L_overlay_start_0:
0x88: {  	s2 =	sld [smem:$0x3FD9]  }
0x89: {  	s3 =	sld [smem:$0x3FFE];
	_ =	sdelay $0x1  }
0x8a: {  	s1 =	srdreg.scid  }
0x8b: {  	s0 =	sand.u32 $0x1, s1  }
0x8c: {  	s17 =	sshll.u32 s0, $0xA;
	s2 =	sadd.s32 s3, s2  }
0x8d: {  	s2 =	sadd.s32 s2, s17  }
0x8e: {  	[smem:$0x3FC1] =	sst s2  }
0x8f: {  	_ = 	snop  }
0x90: {  	s2 =	sld [smem:$0x3FC9]  }
0x91: {  	s18 =	sld [smem:$0x3FD0];
	(tm) =	ssettm $0x1  }
0x92: {  	s4 =	sld [smem:$0x3FFB];
	_ =	sdelay $0x3  }
0x93: {  	_ =	strace s4  }
0x94: {  	s4 =	sld [smem:$0x3FFC];
	_ =	sdelay $0x3  }
0x95: {  	_ =	strace s4  }
0x96: {  	s4 =	sld [smem:$0x3FFD];
	_ =	sdelay $0x3  }
0x97: {  	_ =	strace s4  }
0x98: {  	_ =	strace $0x8FFFFFFF  }
0x99: {  	s19 =	sld [smem:$0x3FDB];
	_ =	sdelay $0x1  }
0x9a: {  	s5 =	simm.s32 $_scs_section_size  }
0x9b: {  	s6 =	simm.s32 $_size__tile_overlayer_lowered;
	s7 =	simm.s32 $_tile_overlayer_lowered  }
0x9c: {  	s22 =	simm.s32 $0x1BFF;
	s21 =	sshll.u32 s7, $0x1;
	s4 =	sadd.s32 s5, s19  }
0x9d: {  	s8 =	simm.s32 $0x0;
	s20 =	sshll.u32 s6, $0x1;
	s6 =	sadd.s32 s21, s4  }
0x9e: {  	[timem:s8], [sflag:s22] =	dma.local [hbm:s6], s20  }
0x9f: {  	_ =	swait.ge [sflag:s22], s20  }
0xa0: {  	s5 =	ssub.s32 $0x0, s20;
	[sflag:s22] =	ssyncset.done $0x0  }
0xa1: {  	[sflag:s22] =	ssyncadd.s32 s5;
	_ =	sdelay $0x1  }
0xa2: {  	s23 =	simm.s32 $0x1B8B  }
0xa3: {  	_ =	swait.ge [sflag:s23], $0x1  }
0xa4: {  	[sflag:s23] =	ssyncset.done $0x0  }
0xa5: {  	s25 =	simm.s32 $0x1B8E;
	s24 =	sld [smem:$0x3FFE];
	[sflag:s23] =	ssyncadd.s32 $0xFFFFFFFF  }
0xa6: {  	s26 =	simm.s32 $execute0_lowered;
	[smem:$0x3FD2] =	sst s25  }
0xa7: {  	s6 =	sshll.u32 s26, $0x1;
	_ =	strace $0x80000046;
	[dreg:$0x1] =	wrdreg $0xFFFFFFFF  }
0xa8: {  	s28 =	simm.s32 $_size_execute0_lowered;
	s4 =	sadd.s32 s4, s6;
	[dreg:$0x0] =	wrdreg $0x0  }
0xa9: {  	s6 =	sshll.u32 s28, $0x1;
	[dreg:$0x2] =	wrdreg s4  }
0xaa: {  	[dreg:$0x3] =	wrdreg s6  }
0xab: {  	[dreg:$0x4] =	wrdreg $0xC0  }
0xac: {  	_ =	task [dreg:s8], $0x5FFFF  }
0xad: {  	[dreg:$0x1] =	wrdreg $0xFFFFFFFF  }
0xae: {  	[dreg:$0x0] =	wrdreg $0x60  }
0xaf: {  	[dreg:$0x2] =	wrdreg s2  }
0xb0: {  	[dreg:$0x3] =	wrdreg s18  }
0xb1: {  	[dreg:$0x4] =	wrdreg s24  }
0xb2: {  	[dreg:$0x5] =	wrdreg $0x90000  }
0xb3: {  	[dreg:$0x6] =	wrdreg $0x9  }
0xb4: {  	_ =	task.clear_ibuf [dreg:s8], $0x7FFFF;
	_ =	strace $0x90000046  }
0xb5: {  	s29 =	simm.s32 $0x9;
	_ =	strace $0x80000048  }
0xb6: {  	_ =	swait.ge [sflag:s29], $0x1  }
0xb7: {  	[sflag:s29] =	ssyncadd.s32 $0xFFFFFFFF  }
0xb8: {  	_ =	strace $0x90000048  }
0xb9: {  	_ =	sfence  }
0xba: {  	s30 =	sld [smem:$0x0];
	_ =	sdelay $0x2  }
0xbb: {  	s31 =	sshll.u32 s1, $0xD;
	s1 =	sshrl.u32 s1, $0x2  }
0xbc: {  	s3 =	sand.u32 $0x4000, s31;
	s1 =	sadd.s32 s1, s30  }
0xbd: {  	s0 =	sor.u32 s3, s0;
	s1 =	sshll.u32 s1, $0x11  }
0xbe: {  	s0 =	sor.u32 s1, s0  }
0xbf: {  	s0 =	sadd.s32 $0x8F2B, s0  }
0xc0: {  	[sflag:s0] =	ssyncadd.remote.s32 $0x1  }
0xc1: {  	_ =	sfence.sel $0xFFFF  }
0xc2: {  	[dreg:$0x0] =	wrdreg $0xFFFFFFFF;
	(pc) =	sbr.abs _section_cstart, $3  }
0xc3: {  	[dreg:$0x1] =	wrdreg $0xFFFFFFFF  }
0xc4: {  	_ =	task.clear_ibuf [dreg:s8], $0x2FFFF;
	_ =	strace $0x9FFFFFFF  }
0xc5: {  	(tm) =	ssettm $0x7FFFFFFF  }
tec
execute0_lowered:
.L_overlay_start_1:
0x0: {  	(tag) =	ssettag $0x1  }
0x1: {  	s1 =	rddreg [dreg:$0x0]  }
0x2: {  	s7 =	rddreg [dreg:$0x1]  }
0x3: {  	s0 =	srdreg.scid;
	s6 =	rddreg [dreg:$0x2]  }
0x4: {  	s3 =	rddreg [dreg:$0x3];
	s4 =	simm.s32 $0x0;
	s14 =	simm.s32 $0x2  }
0x5: {  	s15 =	simm.s32 $0x4000;
	s16 =	simm.s32 $0x6800;
	s5 =	sand.u32 $0x1, s0  }
0x6: {  	s17 =	simm.s32 $0x80;
	s0 =	stileid.u32;
	s9 =	smul.u32 $0x13C000, s5  }
0x7: {  	s18 =	simm.s32 $0x1;
	s21 =	simm.s32 $0x0;
	s10 =	smul.u32 $0x13C00, s0  }
0x8: {  	[smem:$0x7FF] =	sst s4;
	s2 =	sshll.u32 s5, $0x4;
	s11 =	smul.u32 $0x4F000, s0  }
0x9: {  	s29 =	ssub.s32 $0x2, s5;
	s19 =	sshll.u32 s0, $0x6;
	s2 =	sor.u32 s0, s2  }
0xa: {  	s31 =	sshrl.u32 s29, $0x1;
	s19 =	sor.u32 $0x1C02, s19;
	s8 =	smul.u32 $0x500, s2  }
0xb: {  	s2 =	rddreg [dreg:$0x4];
	_ =	strace $0x80000047;
	s9 =	sadd.s32 s10, s9  }
0xc: {  	s30 =	sshrl.u32 s11, $0x2;
	s10 =	ssub.s32 s29, s31;
	s9 =	sshrl.u32 s9, $0x3  }
0xd: {  	s5 =	sadd.s32 s30, s3;
	s10 =	smax.u32 s10, $0x1;
	s12 =	sadd.s32 s8, s6  }
0xe: {  	s9 =	sadd.s32 s9, s6;
	s6 =	sadd.s32 $0x10000, s5;
	s7 =	sadd.s32 s7, s8  }
0xf: {  	s11 =	sadd.s32 $0x4000, s5;
	s13 =	sadd.s32 $0xC000, s5;
	s20 =	sshrl.u32 s5, $0x3  }
0x10: {  	v0 =	vimm.f32 $0.0e+00;
	s8 =	sadd.s32 $0x2200, s12;
	s9 =	sadd.s32 $0xC200, s9;
	s12 =	sadd.s32 $0x8000, s5  }
.LBB2_1:
0x11: {  	s22 =	simm.s32 $0x0;
	s23 =	simm.s32 $0x200  }
.LBB2_2:
0x12: {  	p0 =	sne.s32 s23, $0xFE00;
	[tilespmem:s22+$0x70] =	vst v0  }
0x13: {  	[tilespmem:s22+$0x0] =	vst v0  }
0x14: {  	[tilespmem:s22+$0x10] =	vst v0  }
.Ltmp0:
0x15: {  	[tilespmem:s22+$0x20] =	vst v0;
	(pc) =	sbr.rel @p0 .LBB2_2-.Ltmp0, $4  }
0x16: {  	[tilespmem:s22+$0x30] =	vst v0  }
0x17: {  	[tilespmem:s22+$0x40] =	vst v0  }
0x18: {  	[tilespmem:s22+$0x50] =	vst v0  }
0x19: {  	[tilespmem:s22+$0x60] =	vst v0;
	s22 =	sshra.s32 s23, $0x2;
	s23 =	sadd.s32 $0x200, s23  }
0x1a: {  	[tilespmem:s22+$0x70] =	vst v0  }
0x1b: {  	[tilespmem:s22+$0x0] =	vst v0  }
0x1c: {  	[tilespmem:s22+$0x10] =	vst v0  }
0x1d: {  	[tilespmem:s22+$0x20] =	vst v0  }
0x1e: {  	[tilespmem:s22+$0x30] =	vst v0  }
0x1f: {  	[tilespmem:s22+$0x40] =	vst v0  }
0x20: {  	[tilespmem:s22+$0x50] =	vst v0  }
0x21: {  	[tilespmem:s22+$0x60] =	vst v0;
	s29 =	simm.s32 $0x0  }
0x22: {  	[spmem:s5] =	stream.linear.scatter [tilespmem:s29], [sflag:$0x2], $0x4000, $0x38;
	[tilespmem:$0x1CC00] =	vst v63  }
0x23: {  	_ =	swait.ge [sflag:s14], $0x4000  }
0x24: {  	[sflag:s14] =	ssyncset.done $0x0  }
0x25: {  	[sflag:s14] =	ssyncadd.s32 $0xFFFFC000  }
0x26: {  	[spmem:s11] =	stream.linear.scatter [tilespmem:s29], [sflag:$0x2], $0x4000, $0x38;
	[tilespmem:$0x1CC00] =	vst v63  }
0x27: {  	_ =	swait.ge [sflag:s14], $0x4000  }
0x28: {  	[sflag:s14] =	ssyncset.done $0x0  }
0x29: {  	[sflag:s14] =	ssyncadd.s32 $0xFFFFC000  }
0x2a: {  	[spmem:s12] =	stream.linear.scatter [tilespmem:s29], [sflag:$0x2], $0x4000, $0x38;
	[tilespmem:$0x1CC00] =	vst v63  }
0x2b: {  	_ =	swait.ge [sflag:s14], $0x4000  }
0x2c: {  	[sflag:s14] =	ssyncset.done $0x0  }
0x2d: {  	[sflag:s14] =	ssyncadd.s32 $0xFFFFC000  }
0x2e: {  	[spmem:s13] =	stream.linear.scatter [tilespmem:s29], [sflag:$0x2], $0x4000, $0x38;
	[tilespmem:$0x1CC00] =	vst v63  }
0x2f: {  	_ =	swait.ge [sflag:s14], $0x4000  }
0x30: {  	[sflag:s14] =	ssyncset.done $0x0  }
0x31: {  	[sflag:s14] =	ssyncadd.s32 $0xFFFFC000  }
0x32: {  	[spmem:s6] =	stream.linear.scatter [tilespmem:s29], [sflag:$0x2], $0x3C00, $0x38;
	[tilespmem:$0x1CC00] =	vst v63  }
0x33: {  	_ =	swait.ge [sflag:s14], $0x3C00  }
0x34: {  	[sflag:s14] =	ssyncset.done $0x0  }
0x35: {  	[sflag:s14] =	ssyncadd.s32 $0xFFFFC400  }
0x36: {  	[tilespmem:s15], [sflag:$0x2] =	stream.linear.gather [hbm4b:s7+s29], $0x2780, $0x38;
	[tilespmem:$0x1CC00] =	vst v63  }
0x37: {  	_ =	swait.ge [sflag:s14], $0x2780  }
0x38: {  	[sflag:s14] =	ssyncset.done $0x0  }
0x39: {  	[sflag:s14] =	ssyncadd.s32 $0xFFFFD880  }
0x3a: {  	[tilespmem:s16], [sflag:$0x2] =	stream.linear.gather [hbm4b:s8+s29], $0x2780, $0x38;
	[tilespmem:$0x1CC00] =	vst v63  }
0x3b: {  	_ =	swait.ge [sflag:s14], $0x2780  }
0x3c: {  	[sflag:s14] =	ssyncset.done $0x0  }
0x3d: {  	[sflag:s14] =	ssyncadd.s32 $0xFFFFD880  }
0x3e: {  	s30 =	simm.s32 $0x4000;
	[bflag:$0x0] =	sbarrier.arrive $0xFFFF  }
0x3f: {  	[tilespmem:s4], [sflag:$0x1] =	stream.indirect.gather [hbm4b:s1+s17], $0x80, s30, s17, $0xb8;
	[tilespmem:$0x1CC00] =	vst v63  }
0x40: {  	_ =	swait.ge [sflag:s18], $0x4000  }
0x41: {  	[sflag:s18] =	ssyncset.done $0x0  }
0x42: {  	s31 =	simm.s32 $0x6800;
	[sflag:s18] =	ssyncadd.s32 $0xFFFFC000  }
0x43: {  	[spmem:s3] =	stream.indirect.scatter.add.f32 [tilespmem:s4], [sflag:$0x2], $0x80, s31, s17, $0xb8;
	[tilespmem:$0x1CC00] =	vst v63  }
0x44: {  	_ =	swait.ge [sflag:s14], $0x4000  }
0x45: {  	s23 =	simm.s32 $0x400;
	s22 =	simm.s32 $0x80;
	[sflag:s14] =	ssyncset.done $0x0  }
.LBB2_4:
0x46: {  	s24 =	sadd.s32 $0x4000, s22  }
0x47: {  	[sflag:s14] =	ssyncadd.s32 $0xFFFFC000;
	s25 =	smov.u32 s23;
	s26 =	sadd.s32 $0x200, s23  }
0x48: {  	[tilespmem:s4], [sflag:$0x1] =	stream.indirect.gather [hbm4b:s1+s17], $0x80, s24, s17, $0xb8;
	[tilespmem:$0x1CC00] =	vst v63  }
0x49: {  	p0 =	sne.s32 s23, $0x9C00;
	_ =	swait.ge [sflag:s18], $0x4000  }
.Ltmp1:
0x4a: {  	[sflag:s18] =	ssyncset.done $0x0;
	(pc) =	sbr.rel @p0 .LBB2_4-.Ltmp1, $4  }
0x4b: {  	s22 =	sadd.s32 $0x6800, s22;
	[sflag:s18] =	ssyncadd.s32 $0xFFFFC000  }
0x4c: {  	[spmem:s3] =	stream.indirect.scatter.add.f32 [tilespmem:s4], [sflag:$0x2], $0x80, s22, s17, $0xb8;
	[tilespmem:$0x1CC00] =	vst v63  }
0x4d: {  	_ =	swait.ge [sflag:s14], $0x4000  }
0x4e: {  	s23 =	smov.u32 s26;
	s22 =	sshra.s32 s25, $0x2;
	[sflag:s14] =	ssyncset.done $0x0  }
0x4f: {  	s23 =	sadd.s32 $0x4000, s22;
	[sflag:s14] =	ssyncadd.s32 $0xFFFFC000  }
0x50: {  	[tilespmem:s4], [sflag:$0x1] =	stream.indirect.gather [hbm4b:s1+s17], $0x80, s23, s17, $0xb8;
	[tilespmem:$0x1CC00] =	vst v63  }
0x51: {  	_ =	swait.ge [sflag:s18], $0x4000  }
0x52: {  	[sflag:s18] =	ssyncset.done $0x0  }
0x53: {  	s31 =	sadd.s32 $0x6800, s22;
	[sflag:s18] =	ssyncadd.s32 $0xFFFFC000  }
0x54: {  	[spmem:s3] =	stream.indirect.scatter.add.f32 [tilespmem:s4], [sflag:$0x2], $0x80, s31, s17, $0xb8;
	[tilespmem:$0x1CC00] =	vst v63  }
0x55: {  	_ =	swait.ge [sflag:s14], $0x4000  }
0x56: {  	s21 =	sadd.s32 $0x1, s21;
	[sflag:s14] =	ssyncset.done $0x0  }
0x57: {  	p0 =	sne.s32 s21, s10;
	[sflag:s14] =	ssyncadd.s32 $0xFFFFC000  }
.Ltmp2:
0x58: {  	[bflag:$0x0] =	sbarrier.arrive $0xFFFF;
	(pc) =	sbr.rel @p0 .LBB2_1-.Ltmp2, $4  }
0x59: {  	[hbm:s9], [sflag:s19] =	dma.local [spmem:s20], $0x2780  }
0x5a: {  	_ =	swait.ge [sflag:s14], $0x2780  }
0x5b: {  	[sflag:s14] =	ssyncset.done $0x0  }
0x5c: {  	[sflag:s14] =	ssyncadd.s32 $0xFFFFD880  }
0x5d: {  	_ =	sfence.sel $0x180000  }
0x5e: {  	[bflag:$0x0] =	sbarrier.arrive $0xFFFF  }
0x5f: {  	p0 =	sne.s32 s0, $0x0;
	_ =	strace $0x90000047  }
0x60: {  	s0 =	sadd.s32 @!p0 $0x100000, s2;
	[bflag:$0x2] =	sbarrier.arrive $0xFFFF  }
0x61: {  	[sflag:s0] =	ssyncadd.tile.s32 @!p0 $0x1;
	_ =	shalt  }
.Lfunc_end2:
_tile_overlayer_lowered:
.L_overlay_start_2:
0x62: {  	(tag) =	ssettag $0x2  }
0x63: {  	s0 =	rddreg [dreg:$0x0];
	s2 =	stileid.u32  }
0x64: {  	s1 =	rddreg [dreg:$0x1];
	p0 =	sne.s32 s2, $0x0  }
0x65: {  	s3 =	rddreg [dreg:$0x2];
	[bflag:$0x3] =	sbarrier.arrive $0xFFFF;
	s2 =	simm.s32 @!p0 $0x1C02  }
0x66: {  	[timem:s3], [sflag:s2] =	dma.local @!p0 [hbm:s0], s1  }
0x67: {  	s0 =	simm.s32 @!p0 $0x2  }
0x68: {  	_ =	swait.ge @!p0 [sflag:s0], s1  }
0x69: {  	s1 =	ssub.s32 @!p0 $0x0, s1;
	[sflag:s0] =	ssyncset.done @!p0 $0x0  }
0x6a: {  	[sflag:s0] =	ssyncadd.s32 @!p0 s1  }
0x6b: {  	[bflag:$0x3] =	sbarrier.arrive $0xFFFF  }
0x6c: {  	_ =	shalt  }

// kernel: kernel.8.cloned.1.call-start
scs
__scs_entry_jumppad:
0x0: {  	(pc) =	sbr.rel $0x88, $3  }
0x1: {  	(tag) =	ssettag $0x0;
	lr =	simm.s32 $0x1  }
0x2: {  	[smem:$0x3F9A] =	sst lr;
	_ =	strace $0xD0000000  }
0x3: {  	_ = 	snop  }
0x4: {  	_ = 	snop  }
0x5: {  	_ = 	snop  }
0x6: {  	_ = 	snop  }
0x7: {  	_ = 	snop  }
__scs_overlays_trampoline_lowered:
0x8: {  	[smem:$0x3FA9] =	sst s0  }
0x9: {  	[smem:$0x3FAA] =	sst s1  }
0xa: {  	[smem:$0x3FAB] =	sst s2  }
0xb: {  	[smem:$0x3FAC] =	sst s3  }
0xc: {  	[smem:$0x3FAD] =	sst s4  }
0xd: {  	[smem:$0x3FAE] =	sst s5  }
0xe: {  	[smem:$0x3FAF] =	sst s6  }
0xf: {  	[smem:$0x3FB0] =	sst s7  }
0x10: {  	[smem:$0x3FB1] =	sst s8  }
0x11: {  	[smem:$0x3FB2] =	sst s9;
	s0 =	simm.s32 @!p0 $0x0  }
0x12: {  	s1 =	sld [smem:$0x3F98];
	s0 =	simm.s32 @p0 $0x1  }
0x13: {  	[smem:$0x3FB3] =	sst s0;
	s0 =	simm.s32 @!p1 $0x0  }
0x14: {  	s2 =	sld [smem:$0x3F97];
	s0 =	simm.s32 @p1 $0x1  }
0x15: {  	[smem:$0x3FB4] =	sst s0;
	s0 =	simm.s32 @!p2 $0x0  }
0x16: {  	s3 =	sld [smem:$0x3FDB];
	s0 =	simm.s32 @p2 $0x1  }
0x17: {  	s4 =	simm.s32 $0x1BF5;
	[smem:$0x3FB6] =	sst s0  }
0x18: {  	s0 =	sld [smem:$0x3F99];
	_ =	swait.ge [sflag:s4], $0x0  }
0x19: {  	s7 =	sld [smem:$0x3F9A]  }
0x1a: {  	s8 =	sadd.s32 $0xFFFFE003, lr  }
0x1b: {  	s9 =	sadd.s32 $0xFFFFFEF7, lr;
	s5 =	simm.s32 $0xFFFFFFFF;
	p2 =	slt.u32 s8, $0xFFFFF086  }
0x1c: {  	p1 =	slt.u32 s9, $0xF7A;
	s5 =	simm.s32 @!p2 $0x0  }
0x1d: {  	s5 =	simm.s32 @p1 $0x1;
	p0 =	seq.s32 s7, s2  }
0x1e: {  	s7 =	smul.u32 @!p0 $0xF7A, s2;
	p2 =	seq.s32 @!p0 s5, $0x0  }
0x1f: {  	s9 =	smul.u32 $0xF7A, s1;
	s8 =	simm.s32 @!p0 $0x1BF5;
	p2 =	por !p2, p0  }
0x20: {  	[sflag:s8] =	ssyncset.s32 @!p0 $0xFFFFF086;
	s6 =	sadd.s32 @!p0 s3, s7;
	s7 =	simm.s32 @!p0 $0x108  }
0x21: {  	s3 =	sadd.s32 s3, s9;
	s6 =	sadd.s32 @!p0 $0x88, s6;
	s7 =	simm.s32 @p2 $0x1082  }
0x22: {  	[simem:s7], [sflag:s8] =	dma.local @!p0 [hbm:s6], $0xF7A  }
0x23: {  	s9 =	sor.u32 $0xD0000000, s2;
	s6 =	simm.s32 $0x108;
	_ =	swait.ge @!p0 [sflag:s8], $0x0  }
0x24: {  	s3 =	sadd.s32 $0x88, s3;
	s6 =	simm.s32 @!p1 $0x1082;
	[sflag:s4] =	ssyncset.s32 $0xFFFFF086  }
0x25: {  	[simem:s6], [sflag:s4] =	dma.local [hbm:s3], $0xF7A  }
0x26: {  	[smem:$0x3F9A] =	sst s1;
	(tag) =	ssettag s2;
	_ =	strace s9  }
0x27: {  	s1 =	sld [smem:$0x3FAA]  }
0x28: {  	s2 =	sld [smem:$0x3FAB]  }
0x29: {  	s4 =	sld [smem:$0x3FAD]  }
0x2a: {  	p0 =	seq.s32 s5, $0x0;
	s5 =	sld [smem:$0x3FAE]  }
0x2b: {  	s6 =	sld [smem:$0x3FAF]  }
0x2c: {  	s7 =	sld [smem:$0x3FB0]  }
0x2d: {  	s3 =	simm.s32 $0x108;
	s8 =	sld [smem:$0x3FB1]  }
0x2e: {  	s3 =	simm.s32 @!p0 $0x1082;
	s9 =	sld [smem:$0x3FB2]  }
0x2f: {  	lr =	sadd.s32 s0, s3;
	s0 =	sld [smem:$0x3FA9]  }
0x30: {  	s3 =	sld [smem:$0x3FAC]  }
0x31: {  	[smem:$0x3FB5] =	sst s10  }
0x32: {  	s10 =	sld [smem:$0x3FB3];
	_ =	sdelay $0x3  }
0x33: {  	p0 =	seq.s32 s10, $0x1;
	s10 =	sld [smem:$0x3FB5];
	_ =	sdelay $0x3  }
0x34: {  	[smem:$0x3FB5] =	sst s10  }
0x35: {  	s10 =	sld [smem:$0x3FB4];
	_ =	sdelay $0x3  }
0x36: {  	p1 =	seq.s32 s10, $0x1;
	s10 =	sld [smem:$0x3FB5];
	_ =	sdelay $0x3  }
0x37: {  	[smem:$0x3FB5] =	sst s10  }
0x38: {  	s10 =	sld [smem:$0x3FB6]  }
0x39: {  	_ = 	snop;
	(pc) =	sbr.ind lr, $3  }
0x3a: {  	_ = 	snop  }
0x3b: {  	_ = 	snop  }
0x3c: {  	p2 =	seq.s32 s10, $0x1;
	s10 =	sld [smem:$0x3FB5]  }
0x3d: {  	_ =	shalt  }
0x3e: {  	_ =	shalt  }
0x3f: {  	_ =	shalt  }
0x40: {  	_ =	shalt  }
0x41: {  	_ =	shalt  }
0x42: {  	_ =	shalt  }
0x43: {  	_ =	shalt  }
0x44: {  	_ =	shalt  }
0x45: {  	_ =	shalt  }
0x46: {  	_ =	shalt  }
0x47: {  	_ =	shalt  }
0x48: {  	_ =	shalt  }
0x49: {  	_ =	shalt  }
0x4a: {  	_ =	shalt  }
0x4b: {  	_ =	shalt  }
0x4c: {  	_ =	shalt  }
0x4d: {  	_ =	shalt  }
0x4e: {  	_ =	shalt  }
0x4f: {  	_ =	shalt  }
0x50: {  	_ =	shalt  }
0x51: {  	_ =	shalt  }
0x52: {  	_ =	shalt  }
0x53: {  	_ =	shalt  }
0x54: {  	_ =	shalt  }
0x55: {  	_ =	shalt  }
0x56: {  	_ =	shalt  }
0x57: {  	_ =	shalt  }
0x58: {  	_ =	shalt  }
0x59: {  	_ =	shalt  }
0x5a: {  	_ =	shalt  }
0x5b: {  	_ =	shalt  }
0x5c: {  	_ =	shalt  }
0x5d: {  	_ =	shalt  }
0x5e: {  	_ =	shalt  }
0x5f: {  	_ =	shalt  }
0x60: {  	_ =	shalt  }
0x61: {  	_ =	shalt  }
0x62: {  	_ =	shalt  }
0x63: {  	_ =	shalt  }
0x64: {  	_ =	shalt  }
0x65: {  	_ =	shalt  }
0x66: {  	_ =	shalt  }
0x67: {  	_ =	shalt  }
0x68: {  	_ =	shalt  }
0x69: {  	_ =	shalt  }
0x6a: {  	_ =	shalt  }
0x6b: {  	_ =	shalt  }
0x6c: {  	_ =	shalt  }
0x6d: {  	_ =	shalt  }
0x6e: {  	_ =	shalt  }
0x6f: {  	_ =	shalt  }
0x70: {  	_ =	shalt  }
0x71: {  	_ =	shalt  }
0x72: {  	_ =	shalt  }
0x73: {  	_ =	shalt  }
0x74: {  	_ =	shalt  }
0x75: {  	_ =	shalt  }
0x76: {  	_ =	shalt  }
0x77: {  	_ =	shalt  }
0x78: {  	_ =	shalt  }
0x79: {  	_ =	shalt  }
0x7a: {  	_ =	shalt  }
0x7b: {  	_ =	shalt  }
0x7c: {  	_ =	shalt  }
0x7d: {  	_ =	shalt  }
0x7e: {  	_ =	shalt  }
0x7f: {  	_ =	shalt  }
0x80: {  	_ =	shalt  }
0x81: {  	_ =	shalt  }
0x82: {  	_ =	shalt  }
0x83: {  	_ =	shalt  }
0x84: {  	_ =	shalt  }
0x85: {  	_ =	shalt  }
0x86: {  	_ =	shalt  }
0x87: {  	_ =	shalt  }
.Lfunc_end0:
.L_simem_size_0:
called_computation.1_lowered:
.L_overlay_start_0:
0x88: {  	s2 =	sld [smem:$0x3FD9]  }
0x89: {  	s3 =	sld [smem:$0x3FFE];
	_ =	sdelay $0x1  }
0x8a: {  	s1 =	srdreg.scid  }
0x8b: {  	s0 =	sand.u32 $0x1, s1  }
0x8c: {  	s17 =	sshll.u32 s0, $0xA;
	s2 =	sadd.s32 s3, s2  }
0x8d: {  	s2 =	sadd.s32 s2, s17  }
0x8e: {  	[smem:$0x3FC1] =	sst s2  }
0x8f: {  	_ = 	snop  }
0x90: {  	(tm) =	ssettm $0x1  }
0x91: {  	s18 =	sld [smem:$0x3FFB];
	_ =	sdelay $0x3  }
0x92: {  	_ =	strace s18  }
0x93: {  	s2 =	sld [smem:$0x3FFC];
	_ =	sdelay $0x3  }
0x94: {  	_ =	strace s2  }
0x95: {  	s2 =	sld [smem:$0x3FFD];
	_ =	sdelay $0x3  }
0x96: {  	_ =	strace s2  }
0x97: {  	_ =	strace $0x8FFFFFFF  }
0x98: {  	s19 =	sld [smem:$0x3FDB];
	_ =	sdelay $0x1  }
0x99: {  	s20 =	simm.s32 $_scs_section_size  }
0x9a: {  	s4 =	simm.s32 $_size__tile_overlayer_lowered;
	s5 =	simm.s32 $_tile_overlayer_lowered  }
0x9b: {  	s6 =	simm.s32 $0x1BFF;
	s21 =	sshll.u32 s5, $0x1;
	s3 =	sadd.s32 s20, s19  }
0x9c: {  	s22 =	simm.s32 $0x0;
	s4 =	sshll.u32 s4, $0x1;
	s5 =	sadd.s32 s21, s3  }
0x9d: {  	[timem:s22], [sflag:s6] =	dma.local [hbm:s5], s4  }
0x9e: {  	_ =	swait.ge [sflag:s6], s4  }
0x9f: {  	s4 =	ssub.s32 $0x0, s4;
	[sflag:s6] =	ssyncset.done $0x0  }
0xa0: {  	[sflag:s6] =	ssyncadd.s32 s4;
	_ =	sdelay $0x1  }
0xa1: {  	s23 =	simm.s32 $0x1B8B  }
0xa2: {  	_ =	swait.ge [sflag:s23], $0x1  }
0xa3: {  	[sflag:s23] =	ssyncset.done $0x0  }
0xa4: {  	[sflag:s23] =	ssyncadd.s32 $0xFFFFFFFF  }
0xa5: {  	s4 =	sld [smem:$0x0]  }
0xa6: {  	s5 =	sand.u32 $0xFFFFFFFE, s1  }
0xa7: {  	p0 =	sne.s32 s1, s5  }
0xa8: {  	s5 =	sshll.u32 @p0 s5, $0xE  }
0xa9: {  	s5 =	sadd.s32 @p0 $0x11B8D, s5;
	s6 =	sshll.u32 @p0 s4, $0x11  }
0xaa: {  	s5 =	sor.u32 @p0 s6, s5  }
0xab: {  	[sflag:s5] =	ssyncadd.remote.s32 @p0 $0x1;
	_ =	sdelay $0x1  }
0xac: {  	s5 =	simm.s32 @p0 $0x1B8D  }
0xad: {  	_ =	swait.eq @p0 [sflag:s5], $0x1  }
0xae: {  	[sflag:s5] =	ssyncadd.s32 @p0 $0xFFFFFFFF  }
0xaf: {  	s6 =	sshll.u32 @!p0 s1, $0xE  }
0xb0: {  	s6 =	sor.u32 @!p0 $0x4000, s6;
	s5 =	simm.s32 @!p0 $0x1B8D  }
0xb1: {  	s4 =	sshll.u32 @!p0 s4, $0x11;
	s6 =	sadd.s32 @!p0 $0x11B8D, s6;
	_ =	swait.eq @!p0 [sflag:s5], $0x1  }
0xb2: {  	s4 =	sor.u32 @!p0 s4, s6;
	[sflag:s5] =	ssyncadd.s32 @!p0 $0xFFFFFFFF  }
0xb3: {  	s25 =	simm.s32 $0x1B8E;
	s24 =	sld [smem:$0x3FFE];
	[sflag:s4] =	ssyncadd.remote.s32 @!p0 $0x1  }
0xb4: {  	s26 =	simm.s32 $execute0_lowered;
	[smem:$0x3FD2] =	sst s25  }
0xb5: {  	s5 =	sshll.u32 s26, $0x1;
	_ =	strace $0x80000049;
	[dreg:$0x1] =	wrdreg $0xFFFFFFFF  }
0xb6: {  	s28 =	simm.s32 $_size_execute0_lowered;
	s3 =	sadd.s32 s3, s5;
	[dreg:$0x0] =	wrdreg $0x0  }
0xb7: {  	s5 =	sshll.u32 s28, $0x1;
	[dreg:$0x2] =	wrdreg s3  }
0xb8: {  	[dreg:$0x3] =	wrdreg s5  }
0xb9: {  	[dreg:$0x4] =	wrdreg $0xC0  }
0xba: {  	_ =	task [dreg:s22], $0x5FFFF  }
0xbb: {  	[dreg:$0x1] =	wrdreg $0xFFFFFFFF  }
0xbc: {  	[dreg:$0x0] =	wrdreg $0x60  }
0xbd: {  	[dreg:$0x2] =	wrdreg s24  }
0xbe: {  	[dreg:$0x3] =	wrdreg $0xA8000  }
0xbf: {  	[dreg:$0x4] =	wrdreg $0xA  }
0xc0: {  	_ =	task.clear_ibuf [dreg:s22], $0x5FFFF;
	_ =	strace $0x90000049  }
0xc1: {  	s29 =	simm.s32 $0xA;
	_ =	strace $0x8000004B  }
0xc2: {  	_ =	swait.ge [sflag:s29], $0x1  }
0xc3: {  	[sflag:s29] =	ssyncadd.s32 $0xFFFFFFFF  }
0xc4: {  	_ =	strace $0x9000004B  }
0xc5: {  	_ =	sfence  }
0xc6: {  	s30 =	sld [smem:$0x0];
	_ =	sdelay $0x2  }
0xc7: {  	s31 =	sshll.u32 s1, $0xD;
	s1 =	sshrl.u32 s1, $0x2  }
0xc8: {  	s4 =	sand.u32 $0x4000, s31;
	s1 =	sadd.s32 s1, s30  }
0xc9: {  	s0 =	sor.u32 s4, s0;
	s1 =	sshll.u32 s1, $0x11  }
0xca: {  	s0 =	sor.u32 s1, s0  }
0xcb: {  	s0 =	sadd.s32 $0x8F2B, s0  }
0xcc: {  	[sflag:s0] =	ssyncadd.remote.s32 $0x1  }
0xcd: {  	_ =	sfence.sel $0xFFFF  }
0xce: {  	[dreg:$0x0] =	wrdreg $0xFFFFFFFF;
	(pc) =	sbr.abs _section_cstart, $3  }
0xcf: {  	[dreg:$0x1] =	wrdreg $0xFFFFFFFF  }
0xd0: {  	_ =	task.clear_ibuf [dreg:s22], $0x2FFFF;
	_ =	strace $0x9FFFFFFF  }
0xd1: {  	(tm) =	ssettm $0x7FFFFFFF  }
tec
execute0_lowered:
.L_overlay_start_1:
0x0: {  	(tag) =	ssettag $0x1  }
0x1: {  	s0 =	srdreg.scid;
	s6 =	rddreg [dreg:$0x0]  }
0x2: {  	s2 =	rddreg [dreg:$0x1];
	s3 =	simm.s32 $0x0;
	s14 =	simm.s32 $0x4000  }
0x3: {  	s15 =	simm.s32 $0x2;
	s16 =	simm.s32 $0x8000;
	s5 =	sand.u32 $0x1, s0  }
0x4: {  	s17 =	simm.s32 $0x1;
	s0 =	stileid.u32;
	s9 =	smul.u32 $0x13C000, s5  }
0x5: {  	s18 =	simm.s32 $0x80;
	[smem:$0x7FF] =	sst s3;
	s10 =	smul.u32 $0x13C00, s0  }
0x6: {  	s4 =	sadd.s32 $0x53D200, s6;
	s1 =	sshll.u32 s5, $0x4;
	s11 =	smul.u32 $0x4F000, s0  }
0x7: {  	s29 =	ssub.s32 $0x2, s5;
	s19 =	sshll.u32 s0, $0x6;
	s8 =	sor.u32 s0, s1  }
0x8: {  	s1 =	rddreg [dreg:$0x2];
	_ =	strace $0x8000004A;
	s31 =	sshrl.u32 s29, $0x1  }
0x9: {  	s19 =	sor.u32 $0x1C02, s19;
	s7 =	smul.u32 $0x500, s8;
	s9 =	sadd.s32 s10, s9  }
0xa: {  	s30 =	sshrl.u32 s11, $0x2;
	s10 =	ssub.s32 s29, s31;
	s8 =	smul.u32 $0x2780, s8  }
0xb: {  	s9 =	sshrl.u32 s9, $0x3;
	s5 =	sadd.s32 s30, s2;
	s10 =	smax.u32 s10, $0x1  }
0xc: {  	s7 =	sadd.s32 s7, s6;
	s9 =	sadd.s32 s9, s6;
	s6 =	sadd.s32 $0x10000, s5  }
0xd: {  	v0 =	vimm.f32 $0.0e+00;
	vm0 =	vcmask $0x300;
	s11 =	sadd.s32 $0x4000, s5;
	s12 =	sadd.s32 $0x8000, s5;
	s13 =	sadd.s32 $0xC000, s5  }
0xe: {  	v1 =	vsel vm0, $0x3F800000, v0;
	s20 =	sshrl.u32 s5, $0x3;
	s7 =	sadd.s32 $0x2200, s7;
	s9 =	sadd.s32 $0x5B200, s9  }
.LBB2_1:
0xf: {  	s21 =	simm.s32 $0x0;
	s22 =	simm.s32 $0x200  }
.LBB2_2:
0x10: {  	p0 =	sne.s32 s22, $0xFE00;
	[tilespmem:s21+$0x4070] =	vst v0  }
0x11: {  	[tilespmem:s21+$0x4000] =	vst v0  }
0x12: {  	[tilespmem:s21+$0x4010] =	vst v0  }
.Ltmp0:
0x13: {  	[tilespmem:s21+$0x4020] =	vst v0;
	(pc) =	sbr.rel @p0 .LBB2_2-.Ltmp0, $4  }
0x14: {  	[tilespmem:s21+$0x4030] =	vst v0  }
0x15: {  	[tilespmem:s21+$0x4040] =	vst v0  }
0x16: {  	[tilespmem:s21+$0x4050] =	vst v0  }
0x17: {  	[tilespmem:s21+$0x4060] =	vst v0;
	s21 =	sshra.s32 s22, $0x2;
	s22 =	sadd.s32 $0x200, s22  }
0x18: {  	[tilespmem:s21+$0x4070] =	vst v0  }
0x19: {  	[tilespmem:s21+$0x4000] =	vst v0  }
0x1a: {  	[tilespmem:s21+$0x4010] =	vst v0  }
0x1b: {  	[tilespmem:s21+$0x4020] =	vst v0  }
0x1c: {  	[tilespmem:s21+$0x4030] =	vst v0  }
0x1d: {  	[tilespmem:s21+$0x4040] =	vst v0  }
0x1e: {  	[tilespmem:s21+$0x4050] =	vst v0  }
0x1f: {  	[tilespmem:s21+$0x4060] =	vst v0  }
0x20: {  	[spmem:s5] =	stream.linear.scatter [tilespmem:s14], [sflag:$0x2], $0x4000, $0x38;
	[tilespmem:$0x1E400] =	vst v63  }
0x21: {  	_ =	swait.ge [sflag:s15], $0x4000  }
0x22: {  	[sflag:s15] =	ssyncset.done $0x0  }
0x23: {  	[sflag:s15] =	ssyncadd.s32 $0xFFFFC000  }
0x24: {  	[spmem:s11] =	stream.linear.scatter [tilespmem:s14], [sflag:$0x2], $0x4000, $0x38;
	[tilespmem:$0x1E400] =	vst v63  }
0x25: {  	_ =	swait.ge [sflag:s15], $0x4000  }
0x26: {  	[sflag:s15] =	ssyncset.done $0x0  }
0x27: {  	[sflag:s15] =	ssyncadd.s32 $0xFFFFC000  }
0x28: {  	[spmem:s12] =	stream.linear.scatter [tilespmem:s14], [sflag:$0x2], $0x4000, $0x38;
	[tilespmem:$0x1E400] =	vst v63  }
0x29: {  	_ =	swait.ge [sflag:s15], $0x4000  }
0x2a: {  	[sflag:s15] =	ssyncset.done $0x0  }
0x2b: {  	[sflag:s15] =	ssyncadd.s32 $0xFFFFC000  }
0x2c: {  	[spmem:s13] =	stream.linear.scatter [tilespmem:s14], [sflag:$0x2], $0x4000, $0x38;
	[tilespmem:$0x1E400] =	vst v63  }
0x2d: {  	_ =	swait.ge [sflag:s15], $0x4000  }
0x2e: {  	[sflag:s15] =	ssyncset.done $0x0  }
0x2f: {  	[sflag:s15] =	ssyncadd.s32 $0xFFFFC000  }
0x30: {  	[spmem:s6] =	stream.linear.scatter [tilespmem:s14], [sflag:$0x2], $0x3C00, $0x38;
	[tilespmem:$0x1E400] =	vst v63  }
0x31: {  	_ =	swait.ge [sflag:s15], $0x3C00  }
0x32: {  	[sflag:s15] =	ssyncset.done $0x0  }
0x33: {  	s21 =	simm.s32 $0x0;
	[sflag:s15] =	ssyncadd.s32 $0xFFFFC400  }
0x34: {  	[tilespmem:s16], [sflag:$0x2] =	stream.linear.gather [hbm4b:s7+s21], $0x2780, $0x38;
	[tilespmem:$0x1E400] =	vst v63  }
0x35: {  	_ =	swait.ge [sflag:s15], $0x2780  }
0x36: {  	[sflag:s15] =	ssyncset.done $0x0  }
0x37: {  	[sflag:s15] =	ssyncadd.s32 $0xFFFFD880  }
0x38: {  	s22 =	simm.s32 $0x0;
	[bflag:$0x0] =	sbarrier.arrive $0xFFFF  }
.LBB2_4:
0x39: {  	s23 =	sshll.u32 s22, $0x7  }
0x3a: {  	s24 =	sadd.s32 s8, s23  }
0x3b: {  	s24 =	sshll.u32 s24, $0x4  }
0x3c: {  	s24 =	sadd.s32 s4, s24  }
0x3d: {  	[tilespmem:s21], [sflag:$0x1] =	stream.linear.gather [hbm4b:s24+s21], $0x4000, $0x38;
	[tilespmem:$0x1E400] =	vst v63  }
0x3e: {  	_ =	swait.ge [sflag:s17], $0x4000  }
0x3f: {  	[sflag:s17] =	ssyncset.done $0x0  }
0x40: {  	s24 =	simm.s32 $0x0;
	[sflag:s17] =	ssyncadd.s32 $0xFFFFC000  }
0x41: {  	v3 =	vld [tilespmem:s24+$0x180]  }
0x42: {  	v4 =	vld [tilespmem:s24+$0x0];
	[tilespmem:s24+$0x4010] =	vst v1  }
0x43: {  	v5 =	vld [tilespmem:s24+$0x80];
	[tilespmem:s24+$0x4090] =	vst v1  }
0x44: {  	v2 =	vld [tilespmem:s24+$0x100];
	[tilespmem:s24+$0x4110] =	vst v1  }
0x45: {  	[tilespmem:s24+$0x4190] =	vst v1  }
0x46: {  	[tilespmem:s24+$0x4180] =	vst v3  }
0x47: {  	[tilespmem:s24+$0x4000] =	vst v4  }
0x48: {  	s26 =	simm.s32 $0x200;
	s25 =	simm.s32 $0x1000;
	[tilespmem:s24+$0x4080] =	vst v5  }
.LBB2_5:
0x49: {  	p0 =	sne.s32 s25, $0xF800;
	v3 =	vld [tilespmem:s26+$0x180];
	[tilespmem:s24+$0x4100] =	vst v2;
	s24 =	smov.u32 s26  }
0x4a: {  	v4 =	vld [tilespmem:s24+$0x0];
	[tilespmem:s24+$0x4010] =	vst v1  }
0x4b: {  	v5 =	vld [tilespmem:s24+$0x80];
	[tilespmem:s24+$0x4090] =	vst v1  }
.Ltmp1:
0x4c: {  	v2 =	vld [tilespmem:s24+$0x100];
	[tilespmem:s24+$0x4110] =	vst v1;
	(pc) =	sbr.rel @p0 .LBB2_5-.Ltmp1, $4  }
0x4d: {  	[tilespmem:s24+$0x4190] =	vst v1  }
0x4e: {  	[tilespmem:s24+$0x4180] =	vst v3  }
0x4f: {  	[tilespmem:s24+$0x4000] =	vst v4  }
0x50: {  	s26 =	sshra.s32 s25, $0x2;
	s25 =	sadd.s32 $0x800, s25;
	[tilespmem:s24+$0x4080] =	vst v5  }
0x51: {  	v3 =	vld [tilespmem:s26+$0x180];
	[tilespmem:s24+$0x4100] =	vst v2  }
0x52: {  	v2 =	vld [tilespmem:s26+$0x0];
	[tilespmem:s26+$0x4010] =	vst v1  }
0x53: {  	v4 =	vld [tilespmem:s26+$0x80];
	[tilespmem:s26+$0x4090] =	vst v1  }
0x54: {  	v5 =	vld [tilespmem:s26+$0x100];
	[tilespmem:s26+$0x4110] =	vst v1  }
0x55: {  	[tilespmem:s26+$0x4190] =	vst v1  }
0x56: {  	[tilespmem:s26+$0x4180] =	vst v3  }
0x57: {  	s22 =	sadd.s32 $0x1, s22;
	[tilespmem:s26+$0x4000] =	vst v2  }
0x58: {  	p0 =	sne.s32 s22, $0x4F;
	[tilespmem:s26+$0x4080] =	vst v4  }
.Ltmp2:
0x59: {  	s23 =	sadd.s32 $0x8000, s23;
	[tilespmem:s26+$0x4100] =	vst v5;
	(pc) =	sbr.rel @p0 .LBB2_4-.Ltmp2, $4  }
0x5a: {  	[spmem:s2] =	stream.indirect.scatter.add.f32 [tilespmem:s14], [sflag:$0x2], $0x80, s23, s18, $0xb8;
	[tilespmem:$0x1E400] =	vst v63  }
0x5b: {  	_ =	swait.ge [sflag:s15], $0x4000  }
0x5c: {  	[sflag:s15] =	ssyncset.done $0x0  }
0x5d: {  	[sflag:s15] =	ssyncadd.s32 $0xFFFFC000  }
0x5e: {  	s3 =	sadd.s32 $0x1, s3  }
0x5f: {  	p0 =	sne.s32 s3, s10  }
.Ltmp3:
0x60: {  	[bflag:$0x0] =	sbarrier.arrive $0xFFFF;
	(pc) =	sbr.rel @p0 .LBB2_1-.Ltmp3, $4  }
0x61: {  	[hbm:s9], [sflag:s19] =	dma.local [spmem:s20], $0x2780  }
0x62: {  	_ =	swait.ge [sflag:s15], $0x2780  }
0x63: {  	[sflag:s15] =	ssyncset.done $0x0  }
0x64: {  	[sflag:s15] =	ssyncadd.s32 $0xFFFFD880  }
0x65: {  	_ =	sfence.sel $0x180000  }
0x66: {  	[bflag:$0x0] =	sbarrier.arrive $0xFFFF  }
0x67: {  	p0 =	sne.s32 s0, $0x0;
	_ =	strace $0x9000004A  }
0x68: {  	s0 =	sadd.s32 @!p0 $0x100000, s1;
	[bflag:$0x2] =	sbarrier.arrive $0xFFFF  }
0x69: {  	[sflag:s0] =	ssyncadd.tile.s32 @!p0 $0x1;
	_ =	shalt  }
.Lfunc_end2:
_tile_overlayer_lowered:
.L_overlay_start_2:
0x6a: {  	(tag) =	ssettag $0x2  }
0x6b: {  	s0 =	rddreg [dreg:$0x0];
	s2 =	stileid.u32  }
0x6c: {  	s1 =	rddreg [dreg:$0x1];
	p0 =	sne.s32 s2, $0x0  }
0x6d: {  	s3 =	rddreg [dreg:$0x2];
	[bflag:$0x3] =	sbarrier.arrive $0xFFFF;
	s2 =	simm.s32 @!p0 $0x1C02  }
0x6e: {  	[timem:s3], [sflag:s2] =	dma.local @!p0 [hbm:s0], s1  }
0x6f: {  	s0 =	simm.s32 @!p0 $0x2  }
0x70: {  	_ =	swait.ge @!p0 [sflag:s0], s1  }
0x71: {  	s1 =	ssub.s32 @!p0 $0x0, s1;
	[sflag:s0] =	ssyncset.done @!p0 $0x0  }
0x72: {  	[sflag:s0] =	ssyncadd.s32 @!p0 s1  }
0x73: {  	[bflag:$0x3] =	sbarrier.arrive $0xFFFF  }
0x74: {  	_ =	shalt  }

</sc_bundles>
